<compile_context>
chip_gen: v7x
topology: tpu7x:2x2x1
jax: 0.10.2.dev20260603
libtpu: 0.0.44.dev20260713+nightly
codegen_flags: <defaults>
</compile_context>

<pallas_src>
import functools

import jax
import jax.numpy as jnp
from jax import lax
from jax.experimental import pallas as pl
from jax.experimental.pallas import tpu as pltpu
from jax.experimental.pallas import tpu_sc as plsc

V = 100000
EMB = 128
D = 4
SUB = 32
K = 512
B = 16384
EPS = 1e-3
C1 = int(V * 0.99)
C2 = int(V * 0.90)
KEFF = (K, K // 2, K // 8)
NEG = -1e30

BN = 1024
NB = B // BN


def _sc_gather(table, idx_flat, n_rows, n_cols):
    info = plsc.get_sparse_core_info()
    nw = info.num_cores * info.num_subcores
    b_per_w = n_rows // nw
    mesh = plsc.VectorSubcoreMesh(core_axis_name="c", subcore_axis_name="s")

    @functools.partial(
        pl.kernel,
        mesh=mesh,
        out_type=jax.ShapeDtypeStruct((n_rows, n_cols), jnp.float32),
        scratch_types=[
            pltpu.VMEM((b_per_w,), jnp.int32),
            pltpu.VMEM((b_per_w, n_cols), jnp.float32),
            pltpu.SemaphoreType.DMA,
        ],
    )
    def gk(table_hbm, idx_hbm, out_hbm, idx_v, rows_v, sem):
        wid = lax.axis_index("s") * info.num_cores + lax.axis_index("c")
        base = wid * b_per_w
        pltpu.sync_copy(idx_hbm.at[pl.ds(base, b_per_w)], idx_v)
        pltpu.async_copy(table_hbm.at[idx_v], rows_v, sem).wait()
        pltpu.sync_copy(rows_v, out_hbm.at[pl.ds(base, b_per_w)])

    return gk(table, idx_flat)


def _codes_body(idx_ref, idxr_ref, e_ref, cbd_ref, cbd2_ref, out_ref,
                cn_ref, s_ref, q_ref, a_ref, b_ref, cnt_ref):
    i = pl.program_id(0)

    @pl.when(i == 0)
    def _init():
        cn_ref[...] = jnp.sum((cbd_ref[...] * 0.5) ** 2, axis=0, keepdims=True)
        s_ref[...] = jnp.zeros_like(s_ref)
        q_ref[...] = jnp.zeros_like(q_ref)
        cnt_ref[0] = 0.0
        cnt_ref[1] = 0.0
        cnt_ref[2] = 0.0

    idx = idx_ref[...]
    m0 = idx >= C1
    m1 = jnp.logical_and(idx >= C2, idx < C1)

    @pl.when(i < NB)
    def _pass1():
        e = e_ref[...]
        xsq = e * e
        mm = jnp.dot(e, cbd_ref[...], preferred_element_type=jnp.float32,
                     precision=lax.Precision.DEFAULT)
        xns = [jnp.sum(xsq[:, d * SUB:(d + 1) * SUB], axis=1, keepdims=True)
               for d in range(D)]
        xnb = jnp.concatenate(
            [jnp.broadcast_to(xn, (BN, K)) for xn in xns], axis=1)
        r = mm - xnb - cn_ref[...]
        r2 = r * r
        idxr = idxr_ref[0]
        m0r = (idxr >= C1).astype(jnp.float32)
        m1r = jnp.logical_and(idxr >= C2, idxr < C1).astype(jnp.float32)
        ones = jnp.ones((1, BN), jnp.float32)
        zeros = jnp.zeros((5, BN), jnp.float32)
        pmat = jnp.concatenate([m0r, m1r, ones, zeros], axis=0)
        s_ref[...] += jnp.dot(pmat, r, preferred_element_type=jnp.float32,
                              precision=lax.Precision.HIGHEST)
        q_ref[...] += jnp.dot(pmat, r2, preferred_element_type=jnp.float32,
                              precision=lax.Precision.HIGHEST)
        c0 = jnp.sum(m0r)
        c1 = jnp.sum(m1r)
        cnt_ref[0] += c0
        cnt_ref[1] += c1
        cnt_ref[2] += float(BN) - c0 - c1

    @pl.when(i == NB)
    def _finalize():
        kio = lax.broadcasted_iota(jnp.int32, (1, K), 1)
        sall = s_ref[...]
        qall = q_ref[...]
        for p in range(3):
            if p < 2:
                srow = sall[p:p + 1, :]
                qrow = qall[p:p + 1, :]
            else:
                srow = sall[2:3, :] - sall[0:1, :] - sall[1:2, :]
                qrow = qall[2:3, :] - qall[0:1, :] - qall[1:2, :]
            s1 = sum(srow[:, d * K:(d + 1) * K] for d in range(D))
            s2 = sum(qrow[:, d * K:(d + 1) * K] for d in range(D))
            cnt = cnt_ref[p]
            denom = jnp.maximum(cnt * float(D), 1.0)
            mean = s1 / denom
            var = jnp.maximum(s2 / denom - mean * mean, 0.0)
            a = lax.rsqrt(var + EPS)
            b = jnp.where(kio < KEFF[p], -mean * a, NEG)
            a_ref[p:p + 1, :] = a
            b_ref[p:p + 1, :] = b

    @pl.when(i >= NB)
    def _pass2():
        e = e_ref[...]
        xsq = e * e
        mm = jnp.dot(e, cbd_ref[...], preferred_element_type=jnp.float32,
                     precision=lax.Precision.DEFAULT)
        av = jnp.where(m0, a_ref[0:1, :],
                       jnp.where(m1, a_ref[1:2, :], a_ref[2:3, :]))
        bv = jnp.where(m0, b_ref[0:1, :],
                       jnp.where(m1, b_ref[1:2, :], b_ref[2:3, :]))
        kio = lax.broadcasted_iota(jnp.int32, (BN, K), 1)
        ohs = []
        for d in range(D):
            xn = jnp.sum(xsq[:, d * SUB:(d + 1) * SUB], axis=1, keepdims=True)
            r = mm[:, d * K:(d + 1) * K] - xn - cn_ref[0:1, d * K:(d + 1) * K]
            score = r * av + bv
            mx = jnp.max(score, axis=1, keepdims=True)
            cand = jnp.where(score == mx, kio, K)
            code = jnp.min(cand, axis=1, keepdims=True)
            ohs.append((kio == code).astype(jnp.float32))
        oh = jnp.concatenate(ohs, axis=1)
        out_ref[...] = jnp.dot(oh, cbd2_ref[...],
                               preferred_element_type=jnp.float32,
                               precision=lax.Precision.DEFAULT)


def _codes(idx2d, idx3, e, cbd, cbd2):
    return pl.pallas_call(
        _codes_body,
        grid=(2 * NB,),
        in_specs=[
            pl.BlockSpec((BN, 1), lambda i: (i % NB, 0)),
            pl.BlockSpec((1, 1, BN), lambda i: (i % NB, 0, 0)),
            pl.BlockSpec((BN, EMB), lambda i: (i % NB, 0)),
            pl.BlockSpec((EMB, D * K), lambda i: (0, 0)),
            pl.BlockSpec((D * K, EMB), lambda i: (0, 0)),
        ],
        out_specs=pl.BlockSpec((BN, EMB), lambda i: (i % NB, 0)),
        out_shape=jax.ShapeDtypeStruct((B, EMB), jnp.float32),
        scratch_shapes=[
            pltpu.VMEM((1, D * K), jnp.float32),
            pltpu.VMEM((8, D * K), jnp.float32),
            pltpu.VMEM((8, D * K), jnp.float32),
            pltpu.VMEM((3, K), jnp.float32),
            pltpu.VMEM((3, K), jnp.float32),
            pltpu.SMEM((4,), jnp.float32),
        ],
        compiler_params=pltpu.CompilerParams(
            dimension_semantics=("arbitrary",)),
    )(idx2d, idx3, e, cbd, cbd2)


def _block_diag_codebook(centroids):
    ct = 2.0 * jnp.transpose(centroids, (0, 2, 1))
    rows = [jnp.pad(ct[d], ((0, 0), (d * K, (D - 1 - d) * K)))
            for d in range(D)]
    cbd = jnp.concatenate(rows, axis=0)
    rows2 = [jnp.pad(centroids[d], ((0, 0), (d * SUB, (D - 1 - d) * SUB)))
             for d in range(D)]
    cbd2 = jnp.concatenate(rows2, axis=0)
    return cbd, cbd2


def kernel(indices, emb_table, centroids):
    e = _sc_gather(emb_table, indices, B, EMB)
    cbd, cbd2 = _block_diag_codebook(centroids)
    return _codes(indices.reshape(B, 1), indices.reshape(NB, 1, BN),
                  e, cbd, cbd2)

# --- scband reference (transcript-rebuilt; emitter-appended) ---
"""Pipeline reference for scband-triple-mgqeembedding-45930380264187 (READ-ONLY COPY).

The authoritative reference and input builder live on the scoring server;
editing this copy changes nothing except your own understanding.
"""

import jax, jax.numpy as jnp
import numpy as np

V = 100000
EMB = 128
D = 4
SUB = 32
K = 512
B = 16384
EPS = 1e-3


def _bn(x, mask):
    # keras BatchNormalization(scale=False, center=False), training=True, axis=-1
    # statistics over rows selected by mask, across axes (0, 1)
    m = mask[:, None, None].astype(x.dtype)
    cnt = jnp.maximum(jnp.sum(mask).astype(x.dtype) * x.shape[1], 1.0)
    mean = jnp.sum(x * m, axis=(0, 1), keepdims=True) / cnt
    var = jnp.sum(((x - mean) ** 2) * m, axis=(0, 1), keepdims=True) / cnt
    return (x - mean) / jnp.sqrt(var + EPS)


def _group_codes(x, centroids, k_eff, mask):
    # x: [n, D, SUB]; squared-L2 nearest centroid among first k_eff codes per subspace
    cent = centroids[:, :k_eff, :]
    norm1 = jnp.sum(x ** 2, axis=-1, keepdims=True)
    norm2 = jnp.sum(cent ** 2, axis=-1)[None]
    dot = jnp.matmul(jnp.transpose(x, (1, 0, 2)), jnp.transpose(cent, (0, 2, 1)))
    resp = -norm1 + 2.0 * jnp.transpose(dot, (1, 0, 2)) - norm2
    resp = _bn(resp, mask)
    return jnp.argmax(resp, axis=-1).astype(jnp.int32)


def _forward(indices, emb_table, centroids):
    idxs = indices.reshape(-1)
    c1 = int(V * 0.99)
    c2 = int(V * 0.90)
    # frequency-rank partition table: head (top 1%% ids) -> 0, mid (next 9%%) -> 1, tail -> 2
    partitions = jnp.where(idxs >= c1, 0, jnp.where(idxs >= c2, 1, 2))
    input_emb = jnp.take(emb_table, idxs, axis=0)
    x = input_emb.reshape(-1, D, SUB)
    ks = [K, K // 2, K // 8]
    n = x.shape[0]
    codes = jnp.zeros((n, D), jnp.int32)
    for p in range(3):
        mask = partitions == p
        cand = _group_codes(x, centroids, ks[p], mask)
        codes = jnp.where(mask[:, None], cand, codes)
    d_base = (K * jnp.arange(D, dtype=jnp.int32))[None]
    neighbor = (codes + d_base).reshape(-1)
    cent_flat = centroids.reshape(-1, SUB)
    outputs = jnp.take(cent_flat, neighbor, axis=0).reshape(-1, D, SUB)
    # straight-through estimator
    outputs_final = jax.lax.stop_gradient(outputs - x) + x
    return outputs_final.reshape(indices.shape + (EMB,))


def setup_inputs(seed: int = 0):
    key = jax.random.key(seed)
    k1, k2, k3 = jax.random.split(key, 3)
    indices = jax.random.randint(k1, (B,), 0, V, dtype=jnp.int32)
    emb_table = jax.random.normal(k2, (V, EMB), dtype=jnp.float32) * (2.0 / EMB) ** 0.5
    centroids = jax.random.normal(k3, (D, K, SUB), dtype=jnp.float32) * 0.05
    return {"indices": indices, "emb_table": emb_table, "centroids": centroids}


def reference(indices, emb_table, centroids):
    return _forward(indices, emb_table, centroids)

if __name__ == "__main__":
    import jax
    _d = setup_inputs()
    print(jax.jit(kernel)(*tuple(_d.values())))

</pallas_src>

<mosaic_0001>
#map = affine_map<(d0, d1) -> (0, 0)>
#map1 = affine_map<(d0, d1) -> (0)>
module attributes {stable_mosaic.version = 14 : i64} {
  func.func @gk(%arg0: i32, %arg1: i32, %arg2: memref<100000x128xf32, #tpu.memory_space<hbm>>, %arg3: memref<16384xi32, #tpu.memory_space<hbm>>, %arg4: memref<16384x128xf32, #tpu.memory_space<hbm>>, %arg5: memref<512xi32, #tpu.memory_space<vmem>>, %arg6: memref<512x128xf32, #tpu.memory_space<vmem>>, %arg7: memref<!tpu.dma_semaphore, #tpu.memory_space<semaphore_mem>>) attributes {dimension_semantics = [#tpu.dimension_semantics<core_parallel>, #tpu.dimension_semantics<subcore_parallel>], iteration_bounds = array<i64: 2, 16>, scalar_prefetch = 0 : i64, scratch_operands = 3 : i64, tpu.core_type = #tpu.core_type<sc_vector_subcore>, window_params = [{transform_indices = #map}, {transform_indices = #map1}, {transform_indices = #map}]} {
    %mul3A = arith.constant 2 : i32
    %mul3A_0 = arith.muli %arg1, %mul3A : i32
    %add3A = arith.addi %mul3A_0, %arg0 : i32
    %mul3A_1 = arith.constant 512 : i32
    %mul3A_2 = arith.muli %add3A, %mul3A_1 : i32
    "tpu.region"() ({
      %run_scoped3A = tpu.sem_alloc : memref<!tpu.dma_semaphore, #tpu.memory_space<semaphore_mem>>
      %dma_start3A_7 = tpu.memref_slice %arg3[%mul3A_2] : memref<16384xi32, #tpu.memory_space<hbm>> -> memref<512xi32, #tpu.memory_space<hbm>>
      %dma_start3A_8 = tpu.memref_slice %arg3[%mul3A_2] : memref<16384xi32, #tpu.memory_space<hbm>> -> memref<512xi32, #tpu.memory_space<hbm>>
      tpu.enqueue_dma source(%dma_start3A_8 : memref<512xi32, #tpu.memory_space<hbm>>) target(%arg5 : memref<512xi32, #tpu.memory_space<vmem>>) target_semaphore(%run_scoped3A : memref<!tpu.dma_semaphore, #tpu.memory_space<semaphore_mem>>)
      %dma_wait3A_9 = tpu.memref_slice %arg3[%mul3A_2] : memref<16384xi32, #tpu.memory_space<hbm>> -> memref<512xi32, #tpu.memory_space<hbm>>
      %dma_wait3A_10 = tpu.memref_slice %arg3[%mul3A_2] : memref<16384xi32, #tpu.memory_space<hbm>> -> memref<512xi32, #tpu.memory_space<hbm>>
      tpu.wait_dma2 semaphore(%run_scoped3A : memref<!tpu.dma_semaphore, #tpu.memory_space<semaphore_mem>>) src(%dma_wait3A_10 : memref<512xi32, #tpu.memory_space<hbm>>) dst(%arg5 : memref<512xi32, #tpu.memory_space<vmem>>)
      tpu.yield
    }) : () -> ()
    %dma_start3A = arith.constant 0 : i32
    %dma_start3A_3 = arith.constant 0 : i32
    %dma_start3A_4 = tpu.memref_slice %arg2[%dma_start3A, %dma_start3A_3] : memref<100000x128xf32, #tpu.memory_space<hbm>> -> memref<100000x128xf32, #tpu.memory_space<hbm>>
    tpu.enqueue_indirect_dma source(%dma_start3A_4 : memref<100000x128xf32, #tpu.memory_space<hbm>>) target(%arg6 : memref<512x128xf32, #tpu.memory_space<vmem>>) offsets(%arg5 : memref<512xi32, #tpu.memory_space<vmem>>) semaphore(%arg7 : memref<!tpu.dma_semaphore, #tpu.memory_space<semaphore_mem>>)
    %dma_wait3A = arith.constant 0 : i32
    %dma_wait3A_5 = arith.constant 0 : i32
    %dma_wait3A_6 = tpu.memref_slice %arg2[%dma_wait3A, %dma_wait3A_5] : memref<100000x128xf32, #tpu.memory_space<hbm>> -> memref<100000x128xf32, #tpu.memory_space<hbm>>
    tpu.wait_indirect_dma semaphore(%arg7 : memref<!tpu.dma_semaphore, #tpu.memory_space<semaphore_mem>>) src(%dma_wait3A_6 : memref<100000x128xf32, #tpu.memory_space<hbm>>) dst(%arg6 : memref<512x128xf32, #tpu.memory_space<vmem>>)
    "tpu.region"() ({
      %run_scoped3A = tpu.sem_alloc : memref<!tpu.dma_semaphore, #tpu.memory_space<semaphore_mem>>
      %dma_start3A_7 = arith.constant 0 : i32
      %dma_start3A_8 = tpu.memref_slice %arg4[%mul3A_2, %dma_start3A_7] : memref<16384x128xf32, #tpu.memory_space<hbm>> -> memref<512x128xf32, #tpu.memory_space<hbm>>
      %dma_start3A_9 = arith.constant 0 : i32
      %dma_start3A_10 = tpu.memref_slice %arg4[%mul3A_2, %dma_start3A_9] : memref<16384x128xf32, #tpu.memory_space<hbm>> -> memref<512x128xf32, #tpu.memory_space<hbm>>
      tpu.enqueue_dma source(%arg6 : memref<512x128xf32, #tpu.memory_space<vmem>>) target(%dma_start3A_10 : memref<512x128xf32, #tpu.memory_space<hbm>>) target_semaphore(%run_scoped3A : memref<!tpu.dma_semaphore, #tpu.memory_space<semaphore_mem>>)
      %dma_wait3A_11 = arith.constant 0 : i32
      %dma_wait3A_12 = tpu.memref_slice %arg4[%mul3A_2, %dma_wait3A_11] : memref<16384x128xf32, #tpu.memory_space<hbm>> -> memref<512x128xf32, #tpu.memory_space<hbm>>
      %dma_wait3A_13 = arith.constant 0 : i32
      %dma_wait3A_14 = tpu.memref_slice %arg4[%mul3A_2, %dma_wait3A_13] : memref<16384x128xf32, #tpu.memory_space<hbm>> -> memref<512x128xf32, #tpu.memory_space<hbm>>
      tpu.wait_dma2 semaphore(%run_scoped3A : memref<!tpu.dma_semaphore, #tpu.memory_space<semaphore_mem>>) src(%arg6 : memref<512x128xf32, #tpu.memory_space<vmem>>) dst(%dma_wait3A_14 : memref<512x128xf32, #tpu.memory_space<hbm>>)
      tpu.yield
    }) : () -> ()
    return
  }
}

module attributes {stable_mosaic.version = 14 : i64} {
  func.func @_codes_body(%arg0: i32, %arg1: memref<1024x1xi32, #tpu.memory_space<vmem>>, %arg2: memref<1x1x1024xi32, #tpu.memory_space<vmem>>, %arg3: memref<1024x128xf32, #tpu.memory_space<vmem>>, %arg4: memref<128x2048xf32, #tpu.memory_space<vmem>>, %arg5: memref<2048x128xf32, #tpu.memory_space<vmem>>, %arg6: memref<1024x128xf32, #tpu.memory_space<vmem>>, %arg7: memref<1x2048xf32, #tpu.memory_space<vmem>>, %arg8: memref<8x2048xf32, #tpu.memory_space<vmem>>, %arg9: memref<8x2048xf32, #tpu.memory_space<vmem>>, %arg10: memref<3x512xf32, #tpu.memory_space<vmem>>, %arg11: memref<3x512xf32, #tpu.memory_space<vmem>>, %arg12: memref<4xf32, #tpu.memory_space<smem>>) attributes {dimension_semantics = [#tpu.dimension_semantics<arbitrary>], iteration_bounds = array<i64: 32>, scalar_prefetch = 0 : i64, scratch_operands = 6 : i64, tpu.core_type = #tpu.core_type<tc>, window_params = [{transform_indices = @transform_0, window_bounds = array<i64: 1024, 1>}, {transform_indices = @transform_1, window_bounds = array<i64: 1, 1, 1024>}, {transform_indices = @transform_2, window_bounds = array<i64: 1024, 128>}, {pipeline_mode = #tpu.pipeline_mode<synchronous>, transform_indices = @transform_3, window_bounds = array<i64: 128, 2048>}, {pipeline_mode = #tpu.pipeline_mode<synchronous>, transform_indices = @transform_4, window_bounds = array<i64: 2048, 128>}, {transform_indices = @transform_5, window_bounds = array<i64: 1024, 128>}]} {
    %eq3A = arith.constant 0 : i32
    %eq3A_0 = arith.cmpi eq, %arg0, %eq3A : i32
    %convert_element_type3A = arith.extui %eq3A_0 : i1 to i32
    %cond3A = arith.constant 0 : i32
    %cond3A_1 = arith.cmpi ne, %convert_element_type3A, %cond3A : i32
    scf.if %cond3A_1 {
      %get3A_26 = arith.constant 0 : index
      %get3A_27 = arith.constant 0 : index
      %get3A_28 = vector.load %arg4[%get3A_26, %get3A_27] : memref<128x2048xf32, #tpu.memory_space<vmem>>, vector<128x2048xf32>
      %mul3A = arith.constant 5.000000e-01 : f32
      %mul3A_29 = vector.broadcast %mul3A : f32 to vector<128x2048xf32>
      %mul3A_30 = arith.mulf %get3A_28, %mul3A_29 : vector<128x2048xf32>
      %integer_pow3A = arith.mulf %mul3A_30, %mul3A_30 : vector<128x2048xf32>
      %reduce_sum3A = arith.constant dense<0.000000e+00> : vector<2048xf32>
      %reduce_sum3A_31 = vector.multi_reduction <add>, %integer_pow3A, %reduce_sum3A [0] : vector<128x2048xf32> to vector<2048xf32>
      %broadcast_in_dim3A = vector.shape_cast %reduce_sum3A_31 : vector<2048xf32> to vector<1x2048xf32>
      %swap3A = arith.constant 0 : index
      %swap3A_32 = arith.constant 0 : index
      %swap3A_33 = vector.load %arg7[%swap3A, %swap3A_32] : memref<1x2048xf32, #tpu.memory_space<vmem>>, vector<1x2048xf32>
      tpu.vector_store %arg7[%swap3A, %swap3A_32], %broadcast_in_dim3A {strides = array<i32>} : memref<1x2048xf32, #tpu.memory_space<vmem>>, vector<1x2048xf32>,
      %broadcast_in_dim3A_34 = arith.constant 0.000000e+00 : f32
      %broadcast_in_dim3A_35 = vector.broadcast %broadcast_in_dim3A_34 : f32 to vector<8x2048xf32>
      %swap3A_36 = arith.constant 0 : index
      %swap3A_37 = arith.constant 0 : index
      %swap3A_38 = vector.load %arg8[%swap3A_36, %swap3A_37] : memref<8x2048xf32, #tpu.memory_space<vmem>>, vector<8x2048xf32>
      tpu.vector_store %arg8[%swap3A_36, %swap3A_37], %broadcast_in_dim3A_35 {strides = array<i32>} : memref<8x2048xf32, #tpu.memory_space<vmem>>, vector<8x2048xf32>,
      %broadcast_in_dim3A_39 = arith.constant 0.000000e+00 : f32
      %broadcast_in_dim3A_40 = vector.broadcast %broadcast_in_dim3A_39 : f32 to vector<8x2048xf32>
      %swap3A_41 = arith.constant 0 : index
      %swap3A_42 = arith.constant 0 : index
      %swap3A_43 = vector.load %arg9[%swap3A_41, %swap3A_42] : memref<8x2048xf32, #tpu.memory_space<vmem>>, vector<8x2048xf32>
      tpu.vector_store %arg9[%swap3A_41, %swap3A_42], %broadcast_in_dim3A_40 {strides = array<i32>} : memref<8x2048xf32, #tpu.memory_space<vmem>>, vector<8x2048xf32>,
      %swap3A_44 = arith.constant 0.000000e+00 : f32
      %swap3A_45 = arith.constant 0 : index
      %swap3A_46 = memref.load %arg12[%swap3A_45] : memref<4xf32, #tpu.memory_space<smem>>
      memref.store %swap3A_44, %arg12[%swap3A_45] : memref<4xf32, #tpu.memory_space<smem>>
      %swap3A_47 = arith.constant 0.000000e+00 : f32
      %swap3A_48 = arith.constant 1 : index
      %swap3A_49 = memref.load %arg12[%swap3A_48] : memref<4xf32, #tpu.memory_space<smem>>
      memref.store %swap3A_47, %arg12[%swap3A_48] : memref<4xf32, #tpu.memory_space<smem>>
      %swap3A_50 = arith.constant 0.000000e+00 : f32
      %swap3A_51 = arith.constant 2 : index
      %swap3A_52 = memref.load %arg12[%swap3A_51] : memref<4xf32, #tpu.memory_space<smem>>
      memref.store %swap3A_50, %arg12[%swap3A_51] : memref<4xf32, #tpu.memory_space<smem>>
    } else {
    }
    %get3A = arith.constant 0 : index
    %get3A_2 = arith.constant 0 : index
    %get3A_3 = vector.load %arg1[%get3A, %get3A_2] : memref<1024x1xi32, #tpu.memory_space<vmem>>, vector<1024x1xi32>
    %ge3A = arith.constant 99000 : i32
    %ge3A_4 = vector.broadcast %ge3A : i32 to vector<1024x1xi32>
    %ge3A_5 = arith.cmpi sge, %get3A_3, %ge3A_4 : vector<1024x1xi32>
    %ge3A_6 = arith.constant 90000 : i32
    %ge3A_7 = vector.broadcast %ge3A_6 : i32 to vector<1024x1xi32>
    %ge3A_8 = arith.cmpi sge, %get3A_3, %ge3A_7 : vector<1024x1xi32>
    %lt3A = arith.constant 99000 : i32
    %lt3A_9 = vector.broadcast %lt3A : i32 to vector<1024x1xi32>
    %lt3A_10 = arith.cmpi slt, %get3A_3, %lt3A_9 : vector<1024x1xi32>
    %and3A = arith.andi %ge3A_8, %lt3A_10 : vector<1024x1xi1>
    %lt3A_11 = arith.constant 16 : i32
    %lt3A_12 = arith.cmpi slt, %arg0, %lt3A_11 : i32
    %convert_element_type3A_13 = arith.extui %lt3A_12 : i1 to i32
    %cond3A_14 = arith.constant 0 : i32
    %cond3A_15 = arith.cmpi ne, %convert_element_type3A_13, %cond3A_14 : i32
    scf.if %cond3A_15 {
      %get3A_26 = arith.constant 0 : index
      %get3A_27 = arith.constant 0 : index
      %get3A_28 = vector.load %arg3[%get3A_26, %get3A_27] : memref<1024x128xf32, #tpu.memory_space<vmem>>, vector<1024x128xf32>
      %mul3A = arith.mulf %get3A_28, %get3A_28 : vector<1024x128xf32>
      %get3A_29 = arith.constant 0 : index
      %get3A_30 = arith.constant 0 : index
      %get3A_31 = vector.load %arg4[%get3A_29, %get3A_30] : memref<128x2048xf32, #tpu.memory_space<vmem>>, vector<128x2048xf32>
      %dot_general3A = arith.constant dense<0.000000e+00> : vector<1024x2048xf32>
      %dot_general3A_32 = tpu.matmul %get3A_28, %get3A_31, %dot_general3A {dimension_numbers = #tpu.dot_dimension_numbers<[1], [0], [0], [1], [0, 0, 1, 1], [], []>, transpose_lhs_hint = false} : vector<1024x128xf32>, vector<128x2048xf32>, vector<1024x2048xf32> -> vector<1024x2048xf32>
      %slice3A = vector.extract_strided_slice %mul3A {offsets = [0, 0], sizes = [1024, 32], strides = [1, 1]} : vector<1024x128xf32> to vector<1024x32xf32>
      %reduce_sum3A = arith.constant dense<0.000000e+00> : vector<1024xf32>
      %reduce_sum3A_33 = vector.multi_reduction <add>, %slice3A, %reduce_sum3A [1] : vector<1024x32xf32> to vector<1024xf32>
      %broadcast_in_dim3A = vector.shape_cast %reduce_sum3A_33 : vector<1024xf32> to vector<1024x1xf32>
      %slice3A_34 = vector.extract_strided_slice %mul3A {offsets = [0, 32], sizes = [1024, 32], strides = [1, 1]} : vector<1024x128xf32> to vector<1024x32xf32>
      %reduce_sum3A_35 = arith.constant dense<0.000000e+00> : vector<1024xf32>
      %reduce_sum3A_36 = vector.multi_reduction <add>, %slice3A_34, %reduce_sum3A_35 [1] : vector<1024x32xf32> to vector<1024xf32>
      %broadcast_in_dim3A_37 = vector.shape_cast %reduce_sum3A_36 : vector<1024xf32> to vector<1024x1xf32>
      %slice3A_38 = vector.extract_strided_slice %mul3A {offsets = [0, 64], sizes = [1024, 32], strides = [1, 1]} : vector<1024x128xf32> to vector<1024x32xf32>
      %reduce_sum3A_39 = arith.constant dense<0.000000e+00> : vector<1024xf32>
      %reduce_sum3A_40 = vector.multi_reduction <add>, %slice3A_38, %reduce_sum3A_39 [1] : vector<1024x32xf32> to vector<1024xf32>
      %broadcast_in_dim3A_41 = vector.shape_cast %reduce_sum3A_40 : vector<1024xf32> to vector<1024x1xf32>
      %slice3A_42 = vector.extract_strided_slice %mul3A {offsets = [0, 96], sizes = [1024, 32], strides = [1, 1]} : vector<1024x128xf32> to vector<1024x32xf32>
      %reduce_sum3A_43 = arith.constant dense<0.000000e+00> : vector<1024xf32>
      %reduce_sum3A_44 = vector.multi_reduction <add>, %slice3A_42, %reduce_sum3A_43 [1] : vector<1024x32xf32> to vector<1024xf32>
      %broadcast_in_dim3A_45 = vector.shape_cast %reduce_sum3A_44 : vector<1024xf32> to vector<1024x1xf32>
      %broadcast_in_dim3A_46 = vector.shape_cast %broadcast_in_dim3A : vector<1024x1xf32> to vector<1024x1xf32>
      %broadcast_in_dim3A_47 = vector.broadcast %broadcast_in_dim3A_46 : vector<1024x1xf32> to vector<1024x512xf32>
      %broadcast_in_dim3A_48 = vector.shape_cast %broadcast_in_dim3A_37 : vector<1024x1xf32> to vector<1024x1xf32>
      %broadcast_in_dim3A_49 = vector.broadcast %broadcast_in_dim3A_48 : vector<1024x1xf32> to vector<1024x512xf32>
      %broadcast_in_dim3A_50 = vector.shape_cast %broadcast_in_dim3A_41 : vector<1024x1xf32> to vector<1024x1xf32>
      %broadcast_in_dim3A_51 = vector.broadcast %broadcast_in_dim3A_50 : vector<1024x1xf32> to vector<1024x512xf32>
      %broadcast_in_dim3A_52 = vector.shape_cast %broadcast_in_dim3A_45 : vector<1024x1xf32> to vector<1024x1xf32>
      %broadcast_in_dim3A_53 = vector.broadcast %broadcast_in_dim3A_52 : vector<1024x1xf32> to vector<1024x512xf32>
      %concatenate3A = tpu.concatenate %broadcast_in_dim3A_47, %broadcast_in_dim3A_49, %broadcast_in_dim3A_51, %broadcast_in_dim3A_53 in 1 : vector<1024x512xf32>, vector<1024x512xf32>, vector<1024x512xf32>, vector<1024x512xf32> -> vector<1024x2048xf32>
      %sub3A = arith.subf %dot_general3A_32, %concatenate3A : vector<1024x2048xf32>
      %get3A_54 = arith.constant 0 : index
      %get3A_55 = arith.constant 0 : index
      %get3A_56 = vector.load %arg7[%get3A_54, %get3A_55] : memref<1x2048xf32, #tpu.memory_space<vmem>>, vector<1x2048xf32>
      %sub3A_57 = vector.broadcast %get3A_56 : vector<1x2048xf32> to vector<1024x2048xf32>
      %sub3A_58 = arith.subf %sub3A, %sub3A_57 : vector<1024x2048xf32>
      %mul3A_59 = arith.mulf %sub3A_58, %sub3A_58 : vector<1024x2048xf32>
      %get3A_60 = arith.constant 0 : index
      %get3A_61 = arith.constant 0 : index
      %get3A_62 = arith.constant 0 : index
      %get3A_63 = vector.load %arg2[%get3A_60, %get3A_61, %get3A_62] : memref<1x1x1024xi32, #tpu.memory_space<vmem>>, vector<1x1x1024xi32>
      %get3A_64 = vector.shape_cast %get3A_63 : vector<1x1x1024xi32> to vector<1x1024xi32>
      %ge3A_65 = arith.constant 99000 : i32
      %ge3A_66 = vector.broadcast %ge3A_65 : i32 to vector<1x1024xi32>
      %ge3A_67 = arith.cmpi sge, %get3A_64, %ge3A_66 : vector<1x1024xi32>
      %convert_element_type3A_68 = arith.extui %ge3A_67 : vector<1x1024xi1> to vector<1x1024xi32>
      %convert_element_type3A_69 = arith.sitofp %convert_element_type3A_68 : vector<1x1024xi32> to vector<1x1024xf32>
      %ge3A_70 = arith.constant 90000 : i32
      %ge3A_71 = vector.broadcast %ge3A_70 : i32 to vector<1x1024xi32>
      %ge3A_72 = arith.cmpi sge, %get3A_64, %ge3A_71 : vector<1x1024xi32>
      %lt3A_73 = arith.constant 99000 : i32
      %lt3A_74 = vector.broadcast %lt3A_73 : i32 to vector<1x1024xi32>
      %lt3A_75 = arith.cmpi slt, %get3A_64, %lt3A_74 : vector<1x1024xi32>
      %and3A_76 = arith.andi %ge3A_72, %lt3A_75 : vector<1x1024xi1>
      %convert_element_type3A_77 = arith.extui %and3A_76 : vector<1x1024xi1> to vector<1x1024xi32>
      %convert_element_type3A_78 = arith.sitofp %convert_element_type3A_77 : vector<1x1024xi32> to vector<1x1024xf32>
      %broadcast_in_dim3A_79 = arith.constant 1.000000e+00 : f32
      %broadcast_in_dim3A_80 = vector.broadcast %broadcast_in_dim3A_79 : f32 to vector<1x1024xf32>
      %broadcast_in_dim3A_81 = arith.constant 0.000000e+00 : f32
      %broadcast_in_dim3A_82 = vector.broadcast %broadcast_in_dim3A_81 : f32 to vector<5x1024xf32>
      %concatenate3A_83 = tpu.concatenate %convert_element_type3A_69, %convert_element_type3A_78, %broadcast_in_dim3A_80, %broadcast_in_dim3A_82 in 0 : vector<1x1024xf32>, vector<1x1024xf32>, vector<1x1024xf32>, vector<5x1024xf32> -> vector<8x1024xf32>
      %get3A_84 = arith.constant 0 : index
      %get3A_85 = arith.constant 0 : index
      %get3A_86 = vector.load %arg8[%get3A_84, %get3A_85] : memref<8x2048xf32, #tpu.memory_space<vmem>>, vector<8x2048xf32>
      %dot_general3A_87 = arith.constant dense<0.000000e+00> : vector<8x2048xf32>
      %dot_general3A_88 = tpu.matmul %concatenate3A_83, %sub3A_58, %dot_general3A_87 {dimension_numbers = #tpu.dot_dimension_numbers<[1], [0], [0], [1], [0, 0, 1, 1], [], []>, precision = #tpu.contract_precision<fp32>, transpose_lhs_hint = false} : vector<8x1024xf32>, vector<1024x2048xf32>, vector<8x2048xf32> -> vector<8x2048xf32>
      %add3A = arith.addf %get3A_86, %dot_general3A_88 : vector<8x2048xf32>
      %swap3A = arith.constant 0 : index
      %swap3A_89 = arith.constant 0 : index
      %swap3A_90 = vector.load %arg8[%swap3A, %swap3A_89] : memref<8x2048xf32, #tpu.memory_space<vmem>>, vector<8x2048xf32>
      tpu.vector_store %arg8[%swap3A, %swap3A_89], %add3A {strides = array<i32>} : memref<8x2048xf32, #tpu.memory_space<vmem>>, vector<8x2048xf32>,
      %get3A_91 = arith.constant 0 : index
      %get3A_92 = arith.constant 0 : index
      %get3A_93 = vector.load %arg9[%get3A_91, %get3A_92] : memref<8x2048xf32, #tpu.memory_space<vmem>>, vector<8x2048xf32>
      %dot_general3A_94 = arith.constant dense<0.000000e+00> : vector<8x2048xf32>
      %dot_general3A_95 = tpu.matmul %concatenate3A_83, %mul3A_59, %dot_general3A_94 {dimension_numbers = #tpu.dot_dimension_numbers<[1], [0], [0], [1], [0, 0, 1, 1], [], []>, precision = #tpu.contract_precision<fp32>, transpose_lhs_hint = false} : vector<8x1024xf32>, vector<1024x2048xf32>, vector<8x2048xf32> -> vector<8x2048xf32>
      %add3A_96 = arith.addf %get3A_93, %dot_general3A_95 : vector<8x2048xf32>
      %swap3A_97 = arith.constant 0 : index
      %swap3A_98 = arith.constant 0 : index
      %swap3A_99 = vector.load %arg9[%swap3A_97, %swap3A_98] : memref<8x2048xf32, #tpu.memory_space<vmem>>, vector<8x2048xf32>
      tpu.vector_store %arg9[%swap3A_97, %swap3A_98], %add3A_96 {strides = array<i32>} : memref<8x2048xf32, #tpu.memory_space<vmem>>, vector<8x2048xf32>,
      %reduce_sum3A_100 = vector.shape_cast %convert_element_type3A_69 : vector<1x1024xf32> to vector<1x1x1024xf32>
      %reduce_sum3A_101 = arith.constant dense<0.000000e+00> : vector<1xf32>
      %reduce_sum3A_102 = vector.multi_reduction <add>, %reduce_sum3A_100, %reduce_sum3A_101 [1, 2] : vector<1x1x1024xf32> to vector<1xf32>
      %reduce_sum3A_103 = vector.shape_cast %reduce_sum3A_102 : vector<1xf32> to vector<1x1x1xf32>
      %reduce_sum3A_104 = vector.extract %reduce_sum3A_103[0, 0, 0] : f32 from vector<1x1x1xf32>
      %reduce_sum3A_105 = vector.shape_cast %convert_element_type3A_78 : vector<1x1024xf32> to vector<1x1x1024xf32>
      %reduce_sum3A_106 = arith.constant dense<0.000000e+00> : vector<1xf32>
      %reduce_sum3A_107 = vector.multi_reduction <add>, %reduce_sum3A_105, %reduce_sum3A_106 [1, 2] : vector<1x1x1024xf32> to vector<1xf32>
      %reduce_sum3A_108 = vector.shape_cast %reduce_sum3A_107 : vector<1xf32> to vector<1x1x1xf32>
      %reduce_sum3A_109 = vector.extract %reduce_sum3A_108[0, 0, 0] : f32 from vector<1x1x1xf32>
      %get3A_110 = arith.constant 0 : index
      %get3A_111 = memref.load %arg12[%get3A_110] : memref<4xf32, #tpu.memory_space<smem>>
      %add3A_112 = arith.addf %get3A_111, %reduce_sum3A_104 : f32
      %swap3A_113 = arith.constant 0 : index
      %swap3A_114 = memref.load %arg12[%swap3A_113] : memref<4xf32, #tpu.memory_space<smem>>
      memref.store %add3A_112, %arg12[%swap3A_113] : memref<4xf32, #tpu.memory_space<smem>>
      %get3A_115 = arith.constant 1 : index
      %get3A_116 = memref.load %arg12[%get3A_115] : memref<4xf32, #tpu.memory_space<smem>>
      %add3A_117 = arith.addf %get3A_116, %reduce_sum3A_109 : f32
      %swap3A_118 = arith.constant 1 : index
      %swap3A_119 = memref.load %arg12[%swap3A_118] : memref<4xf32, #tpu.memory_space<smem>>
      memref.store %add3A_117, %arg12[%swap3A_118] : memref<4xf32, #tpu.memory_space<smem>>
      %get3A_120 = arith.constant 2 : index
      %get3A_121 = memref.load %arg12[%get3A_120] : memref<4xf32, #tpu.memory_space<smem>>
      %sub3A_122 = arith.constant 1.024000e+03 : f32
      %sub3A_123 = arith.subf %sub3A_122, %reduce_sum3A_104 : f32
      %sub3A_124 = arith.subf %sub3A_123, %reduce_sum3A_109 : f32
      %add3A_125 = arith.addf %get3A_121, %sub3A_124 : f32
      %swap3A_126 = arith.constant 2 : index
      %swap3A_127 = memref.load %arg12[%swap3A_126] : memref<4xf32, #tpu.memory_space<smem>>
      memref.store %add3A_125, %arg12[%swap3A_126] : memref<4xf32, #tpu.memory_space<smem>>
    } else {
    }
    %eq3A_16 = arith.constant 16 : i32
    %eq3A_17 = arith.cmpi eq, %arg0, %eq3A_16 : i32
    %convert_element_type3A_18 = arith.extui %eq3A_17 : i1 to i32
    %cond3A_19 = arith.constant 0 : i32
    %cond3A_20 = arith.cmpi ne, %convert_element_type3A_18, %cond3A_19 : i32
    scf.if %cond3A_20 {
      %iota3A = tpu.iota {dimensions = array<i32: 1>} : vector<1x512xi32>
      %get3A_26 = arith.constant 0 : index
      %get3A_27 = arith.constant 0 : index
      %get3A_28 = vector.load %arg8[%get3A_26, %get3A_27] : memref<8x2048xf32, #tpu.memory_space<vmem>>, vector<8x2048xf32>
      %get3A_29 = arith.constant 0 : index
      %get3A_30 = arith.constant 0 : index
      %get3A_31 = vector.load %arg9[%get3A_29, %get3A_30] : memref<8x2048xf32, #tpu.memory_space<vmem>>, vector<8x2048xf32>
      %slice3A = vector.extract_strided_slice %get3A_28 {offsets = [0, 0], sizes = [1, 2048], strides = [1, 1]} : vector<8x2048xf32> to vector<1x2048xf32>
      %slice3A_32 = vector.extract_strided_slice %get3A_31 {offsets = [0, 0], sizes = [1, 2048], strides = [1, 1]} : vector<8x2048xf32> to vector<1x2048xf32>
      %slice3A_33 = vector.extract_strided_slice %slice3A {offsets = [0, 0], sizes = [1, 512], strides = [1, 1]} : vector<1x2048xf32> to vector<1x512xf32>
      %add3A = arith.constant 0.000000e+00 : f32
      %add3A_34 = vector.broadcast %add3A : f32 to vector<1x512xf32>
      %add3A_35 = arith.addf %add3A_34, %slice3A_33 : vector<1x512xf32>
      %slice3A_36 = vector.extract_strided_slice %slice3A {offsets = [0, 512], sizes = [1, 512], strides = [1, 1]} : vector<1x2048xf32> to vector<1x512xf32>
      %add3A_37 = arith.addf %add3A_35, %slice3A_36 : vector<1x512xf32>
      %slice3A_38 = vector.extract_strided_slice %slice3A {offsets = [0, 1024], sizes = [1, 512], strides = [1, 1]} : vector<1x2048xf32> to vector<1x512xf32>
      %add3A_39 = arith.addf %add3A_37, %slice3A_38 : vector<1x512xf32>
      %slice3A_40 = vector.extract_strided_slice %slice3A {offsets = [0, 1536], sizes = [1, 512], strides = [1, 1]} : vector<1x2048xf32> to vector<1x512xf32>
      %add3A_41 = arith.addf %add3A_39, %slice3A_40 : vector<1x512xf32>
      %slice3A_42 = vector.extract_strided_slice %slice3A_32 {offsets = [0, 0], sizes = [1, 512], strides = [1, 1]} : vector<1x2048xf32> to vector<1x512xf32>
      %add3A_43 = arith.constant 0.000000e+00 : f32
      %add3A_44 = vector.broadcast %add3A_43 : f32 to vector<1x512xf32>
      %add3A_45 = arith.addf %add3A_44, %slice3A_42 : vector<1x512xf32>
      %slice3A_46 = vector.extract_strided_slice %slice3A_32 {offsets = [0, 512], sizes = [1, 512], strides = [1, 1]} : vector<1x2048xf32> to vector<1x512xf32>
      %add3A_47 = arith.addf %add3A_45, %slice3A_46 : vector<1x512xf32>
      %slice3A_48 = vector.extract_strided_slice %slice3A_32 {offsets = [0, 1024], sizes = [1, 512], strides = [1, 1]} : vector<1x2048xf32> to vector<1x512xf32>
      %add3A_49 = arith.addf %add3A_47, %slice3A_48 : vector<1x512xf32>
      %slice3A_50 = vector.extract_strided_slice %slice3A_32 {offsets = [0, 1536], sizes = [1, 512], strides = [1, 1]} : vector<1x2048xf32> to vector<1x512xf32>
      %add3A_51 = arith.addf %add3A_49, %slice3A_50 : vector<1x512xf32>
      %get3A_52 = arith.constant 0 : index
      %get3A_53 = memref.load %arg12[%get3A_52] : memref<4xf32, #tpu.memory_space<smem>>
      %mul3A = arith.constant 4.000000e+00 : f32
      %mul3A_54 = arith.mulf %get3A_53, %mul3A : f32
      %max3A = arith.constant 1.000000e+00 : f32
      %max3A_55 = arith.maximumf %mul3A_54, %max3A : f32
      %div3A = vector.broadcast %max3A_55 : f32 to vector<1x512xf32>
      %div3A_56 = arith.divf %add3A_41, %div3A : vector<1x512xf32>
      %div3A_57 = vector.broadcast %max3A_55 : f32 to vector<1x512xf32>
      %div3A_58 = arith.divf %add3A_51, %div3A_57 : vector<1x512xf32>
      %mul3A_59 = arith.mulf %div3A_56, %div3A_56 : vector<1x512xf32>
      %sub3A = arith.subf %div3A_58, %mul3A_59 : vector<1x512xf32>
      %max3A_60 = arith.constant 0.000000e+00 : f32
      %max3A_61 = vector.broadcast %max3A_60 : f32 to vector<1x512xf32>
      %max3A_62 = arith.maximumf %sub3A, %max3A_61 : vector<1x512xf32>
      %add3A_63 = arith.constant 1.000000e-03 : f32
      %add3A_64 = vector.broadcast %add3A_63 : f32 to vector<1x512xf32>
      %add3A_65 = arith.addf %max3A_62, %add3A_64 : vector<1x512xf32>
      %rsqrt3A = math.rsqrt %add3A_65 : vector<1x512xf32>
      %lt3A_66 = arith.constant 512 : i32
      %lt3A_67 = vector.broadcast %lt3A_66 : i32 to vector<1x512xi32>
      %lt3A_68 = arith.cmpi slt, %iota3A, %lt3A_67 : vector<1x512xi32>
      %neg3A = arith.constant 0.000000e+00 : f32
      %neg3A_69 = vector.broadcast %neg3A : f32 to vector<1x512xf32>
      %neg3A_70 = arith.subf %neg3A_69, %div3A_56 : vector<1x512xf32>
      %mul3A_71 = arith.mulf %neg3A_70, %rsqrt3A : vector<1x512xf32>
      %jit3A = arith.constant -1.000000e+30 : f32
      %broadcast_in_dim3A = vector.broadcast %jit3A : f32 to vector<1x512xf32>
      %select_n3A = arith.select %lt3A_68, %mul3A_71, %broadcast_in_dim3A : vector<1x512xi1>, vector<1x512xf32>
      %swap3A = arith.constant 0 : index
      %swap3A_72 = arith.constant 0 : index
      %swap3A_73 = vector.load %arg10[%swap3A, %swap3A_72] : memref<3x512xf32, #tpu.memory_space<vmem>>, vector<1x512xf32>
      tpu.vector_store %arg10[%swap3A, %swap3A_72], %rsqrt3A {strides = array<i32>} : memref<3x512xf32, #tpu.memory_space<vmem>>, vector<1x512xf32>,
      %swap3A_74 = arith.constant 0 : index
      %swap3A_75 = arith.constant 0 : index
      %swap3A_76 = vector.load %arg11[%swap3A_74, %swap3A_75] : memref<3x512xf32, #tpu.memory_space<vmem>>, vector<1x512xf32>
      tpu.vector_store %arg11[%swap3A_74, %swap3A_75], %select_n3A {strides = array<i32>} : memref<3x512xf32, #tpu.memory_space<vmem>>, vector<1x512xf32>,
      %slice3A_77 = vector.extract_strided_slice %get3A_28 {offsets = [1, 0], sizes = [1, 2048], strides = [1, 1]} : vector<8x2048xf32> to vector<1x2048xf32>
      %slice3A_78 = vector.extract_strided_slice %get3A_31 {offsets = [1, 0], sizes = [1, 2048], strides = [1, 1]} : vector<8x2048xf32> to vector<1x2048xf32>
      %slice3A_79 = vector.extract_strided_slice %slice3A_77 {offsets = [0, 0], sizes = [1, 512], strides = [1, 1]} : vector<1x2048xf32> to vector<1x512xf32>
      %add3A_80 = arith.constant 0.000000e+00 : f32
      %add3A_81 = vector.broadcast %add3A_80 : f32 to vector<1x512xf32>
      %add3A_82 = arith.addf %add3A_81, %slice3A_79 : vector<1x512xf32>
      %slice3A_83 = vector.extract_strided_slice %slice3A_77 {offsets = [0, 512], sizes = [1, 512], strides = [1, 1]} : vector<1x2048xf32> to vector<1x512xf32>
      %add3A_84 = arith.addf %add3A_82, %slice3A_83 : vector<1x512xf32>
      %slice3A_85 = vector.extract_strided_slice %slice3A_77 {offsets = [0, 1024], sizes = [1, 512], strides = [1, 1]} : vector<1x2048xf32> to vector<1x512xf32>
      %add3A_86 = arith.addf %add3A_84, %slice3A_85 : vector<1x512xf32>
      %slice3A_87 = vector.extract_strided_slice %slice3A_77 {offsets = [0, 1536], sizes = [1, 512], strides = [1, 1]} : vector<1x2048xf32> to vector<1x512xf32>
      %add3A_88 = arith.addf %add3A_86, %slice3A_87 : vector<1x512xf32>
      %slice3A_89 = vector.extract_strided_slice %slice3A_78 {offsets = [0, 0], sizes = [1, 512], strides = [1, 1]} : vector<1x2048xf32> to vector<1x512xf32>
      %add3A_90 = arith.constant 0.000000e+00 : f32
      %add3A_91 = vector.broadcast %add3A_90 : f32 to vector<1x512xf32>
      %add3A_92 = arith.addf %add3A_91, %slice3A_89 : vector<1x512xf32>
      %slice3A_93 = vector.extract_strided_slice %slice3A_78 {offsets = [0, 512], sizes = [1, 512], strides = [1, 1]} : vector<1x2048xf32> to vector<1x512xf32>
      %add3A_94 = arith.addf %add3A_92, %slice3A_93 : vector<1x512xf32>
      %slice3A_95 = vector.extract_strided_slice %slice3A_78 {offsets = [0, 1024], sizes = [1, 512], strides = [1, 1]} : vector<1x2048xf32> to vector<1x512xf32>
      %add3A_96 = arith.addf %add3A_94, %slice3A_95 : vector<1x512xf32>
      %slice3A_97 = vector.extract_strided_slice %slice3A_78 {offsets = [0, 1536], sizes = [1, 512], strides = [1, 1]} : vector<1x2048xf32> to vector<1x512xf32>
      %add3A_98 = arith.addf %add3A_96, %slice3A_97 : vector<1x512xf32>
      %get3A_99 = arith.constant 1 : index
      %get3A_100 = memref.load %arg12[%get3A_99] : memref<4xf32, #tpu.memory_space<smem>>
      %mul3A_101 = arith.constant 4.000000e+00 : f32
      %mul3A_102 = arith.mulf %get3A_100, %mul3A_101 : f32
      %max3A_103 = arith.constant 1.000000e+00 : f32
      %max3A_104 = arith.maximumf %mul3A_102, %max3A_103 : f32
      %div3A_105 = vector.broadcast %max3A_104 : f32 to vector<1x512xf32>
      %div3A_106 = arith.divf %add3A_88, %div3A_105 : vector<1x512xf32>
      %div3A_107 = vector.broadcast %max3A_104 : f32 to vector<1x512xf32>
      %div3A_108 = arith.divf %add3A_98, %div3A_107 : vector<1x512xf32>
      %mul3A_109 = arith.mulf %div3A_106, %div3A_106 : vector<1x512xf32>
      %sub3A_110 = arith.subf %div3A_108, %mul3A_109 : vector<1x512xf32>
      %max3A_111 = arith.constant 0.000000e+00 : f32
      %max3A_112 = vector.broadcast %max3A_111 : f32 to vector<1x512xf32>
      %max3A_113 = arith.maximumf %sub3A_110, %max3A_112 : vector<1x512xf32>
      %add3A_114 = arith.constant 1.000000e-03 : f32
      %add3A_115 = vector.broadcast %add3A_114 : f32 to vector<1x512xf32>
      %add3A_116 = arith.addf %max3A_113, %add3A_115 : vector<1x512xf32>
      %rsqrt3A_117 = math.rsqrt %add3A_116 : vector<1x512xf32>
      %lt3A_118 = arith.constant 256 : i32
      %lt3A_119 = vector.broadcast %lt3A_118 : i32 to vector<1x512xi32>
      %lt3A_120 = arith.cmpi slt, %iota3A, %lt3A_119 : vector<1x512xi32>
      %neg3A_121 = arith.constant 0.000000e+00 : f32
      %neg3A_122 = vector.broadcast %neg3A_121 : f32 to vector<1x512xf32>
      %neg3A_123 = arith.subf %neg3A_122, %div3A_106 : vector<1x512xf32>
      %mul3A_124 = arith.mulf %neg3A_123, %rsqrt3A_117 : vector<1x512xf32>
      %jit3A_125 = arith.constant -1.000000e+30 : f32
      %broadcast_in_dim3A_126 = vector.broadcast %jit3A_125 : f32 to vector<1x512xf32>
      %select_n3A_127 = arith.select %lt3A_120, %mul3A_124, %broadcast_in_dim3A_126 : vector<1x512xi1>, vector<1x512xf32>
      %swap3A_128 = arith.constant 1 : index
      %swap3A_129 = arith.constant 0 : index
      %swap3A_130 = vector.load %arg10[%swap3A_128, %swap3A_129] : memref<3x512xf32, #tpu.memory_space<vmem>>, vector<1x512xf32>
      tpu.vector_store %arg10[%swap3A_128, %swap3A_129], %rsqrt3A_117 {strides = array<i32>} : memref<3x512xf32, #tpu.memory_space<vmem>>, vector<1x512xf32>,
      %swap3A_131 = arith.constant 1 : index
      %swap3A_132 = arith.constant 0 : index
      %swap3A_133 = vector.load %arg11[%swap3A_131, %swap3A_132] : memref<3x512xf32, #tpu.memory_space<vmem>>, vector<1x512xf32>
      tpu.vector_store %arg11[%swap3A_131, %swap3A_132], %select_n3A_127 {strides = array<i32>} : memref<3x512xf32, #tpu.memory_space<vmem>>, vector<1x512xf32>,
      %slice3A_134 = vector.extract_strided_slice %get3A_28 {offsets = [2, 0], sizes = [1, 2048], strides = [1, 1]} : vector<8x2048xf32> to vector<1x2048xf32>
      %slice3A_135 = vector.extract_strided_slice %get3A_28 {offsets = [0, 0], sizes = [1, 2048], strides = [1, 1]} : vector<8x2048xf32> to vector<1x2048xf32>
      %sub3A_136 = arith.subf %slice3A_134, %slice3A_135 : vector<1x2048xf32>
      %slice3A_137 = vector.extract_strided_slice %get3A_28 {offsets = [1, 0], sizes = [1, 2048], strides = [1, 1]} : vector<8x2048xf32> to vector<1x2048xf32>
      %sub3A_138 = arith.subf %sub3A_136, %slice3A_137 : vector<1x2048xf32>
      %slice3A_139 = vector.extract_strided_slice %get3A_31 {offsets = [2, 0], sizes = [1, 2048], strides = [1, 1]} : vector<8x2048xf32> to vector<1x2048xf32>
      %slice3A_140 = vector.extract_strided_slice %get3A_31 {offsets = [0, 0], sizes = [1, 2048], strides = [1, 1]} : vector<8x2048xf32> to vector<1x2048xf32>
      %sub3A_141 = arith.subf %slice3A_139, %slice3A_140 : vector<1x2048xf32>
      %slice3A_142 = vector.extract_strided_slice %get3A_31 {offsets = [1, 0], sizes = [1, 2048], strides = [1, 1]} : vector<8x2048xf32> to vector<1x2048xf32>
      %sub3A_143 = arith.subf %sub3A_141, %slice3A_142 : vector<1x2048xf32>
      %slice3A_144 = vector.extract_strided_slice %sub3A_138 {offsets = [0, 0], sizes = [1, 512], strides = [1, 1]} : vector<1x2048xf32> to vector<1x512xf32>
      %add3A_145 = arith.constant 0.000000e+00 : f32
      %add3A_146 = vector.broadcast %add3A_145 : f32 to vector<1x512xf32>
      %add3A_147 = arith.addf %add3A_146, %slice3A_144 : vector<1x512xf32>
      %slice3A_148 = vector.extract_strided_slice %sub3A_138 {offsets = [0, 512], sizes = [1, 512], strides = [1, 1]} : vector<1x2048xf32> to vector<1x512xf32>
      %add3A_149 = arith.addf %add3A_147, %slice3A_148 : vector<1x512xf32>
      %slice3A_150 = vector.extract_strided_slice %sub3A_138 {offsets = [0, 1024], sizes = [1, 512], strides = [1, 1]} : vector<1x2048xf32> to vector<1x512xf32>
      %add3A_151 = arith.addf %add3A_149, %slice3A_150 : vector<1x512xf32>
      %slice3A_152 = vector.extract_strided_slice %sub3A_138 {offsets = [0, 1536], sizes = [1, 512], strides = [1, 1]} : vector<1x2048xf32> to vector<1x512xf32>
      %add3A_153 = arith.addf %add3A_151, %slice3A_152 : vector<1x512xf32>
      %slice3A_154 = vector.extract_strided_slice %sub3A_143 {offsets = [0, 0], sizes = [1, 512], strides = [1, 1]} : vector<1x2048xf32> to vector<1x512xf32>
      %add3A_155 = arith.constant 0.000000e+00 : f32
      %add3A_156 = vector.broadcast %add3A_155 : f32 to vector<1x512xf32>
      %add3A_157 = arith.addf %add3A_156, %slice3A_154 : vector<1x512xf32>
      %slice3A_158 = vector.extract_strided_slice %sub3A_143 {offsets = [0, 512], sizes = [1, 512], strides = [1, 1]} : vector<1x2048xf32> to vector<1x512xf32>
      %add3A_159 = arith.addf %add3A_157, %slice3A_158 : vector<1x512xf32>
      %slice3A_160 = vector.extract_strided_slice %sub3A_143 {offsets = [0, 1024], sizes = [1, 512], strides = [1, 1]} : vector<1x2048xf32> to vector<1x512xf32>
      %add3A_161 = arith.addf %add3A_159, %slice3A_160 : vector<1x512xf32>
      %slice3A_162 = vector.extract_strided_slice %sub3A_143 {offsets = [0, 1536], sizes = [1, 512], strides = [1, 1]} : vector<1x2048xf32> to vector<1x512xf32>
      %add3A_163 = arith.addf %add3A_161, %slice3A_162 : vector<1x512xf32>
      %get3A_164 = arith.constant 2 : index
      %get3A_165 = memref.load %arg12[%get3A_164] : memref<4xf32, #tpu.memory_space<smem>>
      %mul3A_166 = arith.constant 4.000000e+00 : f32
      %mul3A_167 = arith.mulf %get3A_165, %mul3A_166 : f32
      %max3A_168 = arith.constant 1.000000e+00 : f32
      %max3A_169 = arith.maximumf %mul3A_167, %max3A_168 : f32
      %div3A_170 = vector.broadcast %max3A_169 : f32 to vector<1x512xf32>
      %div3A_171 = arith.divf %add3A_153, %div3A_170 : vector<1x512xf32>
      %div3A_172 = vector.broadcast %max3A_169 : f32 to vector<1x512xf32>
      %div3A_173 = arith.divf %add3A_163, %div3A_172 : vector<1x512xf32>
      %mul3A_174 = arith.mulf %div3A_171, %div3A_171 : vector<1x512xf32>
      %sub3A_175 = arith.subf %div3A_173, %mul3A_174 : vector<1x512xf32>
      %max3A_176 = arith.constant 0.000000e+00 : f32
      %max3A_177 = vector.broadcast %max3A_176 : f32 to vector<1x512xf32>
      %max3A_178 = arith.maximumf %sub3A_175, %max3A_177 : vector<1x512xf32>
      %add3A_179 = arith.constant 1.000000e-03 : f32
      %add3A_180 = vector.broadcast %add3A_179 : f32 to vector<1x512xf32>
      %add3A_181 = arith.addf %max3A_178, %add3A_180 : vector<1x512xf32>
      %rsqrt3A_182 = math.rsqrt %add3A_181 : vector<1x512xf32>
      %lt3A_183 = arith.constant 64 : i32
      %lt3A_184 = vector.broadcast %lt3A_183 : i32 to vector<1x512xi32>
      %lt3A_185 = arith.cmpi slt, %iota3A, %lt3A_184 : vector<1x512xi32>
      %neg3A_186 = arith.constant 0.000000e+00 : f32
      %neg3A_187 = vector.broadcast %neg3A_186 : f32 to vector<1x512xf32>
      %neg3A_188 = arith.subf %neg3A_187, %div3A_171 : vector<1x512xf32>
      %mul3A_189 = arith.mulf %neg3A_188, %rsqrt3A_182 : vector<1x512xf32>
      %jit3A_190 = arith.constant -1.000000e+30 : f32
      %broadcast_in_dim3A_191 = vector.broadcast %jit3A_190 : f32 to vector<1x512xf32>
      %select_n3A_192 = arith.select %lt3A_185, %mul3A_189, %broadcast_in_dim3A_191 : vector<1x512xi1>, vector<1x512xf32>
      %swap3A_193 = arith.constant 2 : index
      %swap3A_194 = arith.constant 0 : index
      %swap3A_195 = vector.load %arg10[%swap3A_193, %swap3A_194] : memref<3x512xf32, #tpu.memory_space<vmem>>, vector<1x512xf32>
      tpu.vector_store %arg10[%swap3A_193, %swap3A_194], %rsqrt3A_182 {strides = array<i32>} : memref<3x512xf32, #tpu.memory_space<vmem>>, vector<1x512xf32>,
      %swap3A_196 = arith.constant 2 : index
      %swap3A_197 = arith.constant 0 : index
      %swap3A_198 = vector.load %arg11[%swap3A_196, %swap3A_197] : memref<3x512xf32, #tpu.memory_space<vmem>>, vector<1x512xf32>
      tpu.vector_store %arg11[%swap3A_196, %swap3A_197], %select_n3A_192 {strides = array<i32>} : memref<3x512xf32, #tpu.memory_space<vmem>>, vector<1x512xf32>,
    } else {
    }
    %ge3A_21 = arith.constant 16 : i32
    %ge3A_22 = arith.cmpi sge, %arg0, %ge3A_21 : i32
    %convert_element_type3A_23 = arith.extui %ge3A_22 : i1 to i32
    %cond3A_24 = arith.constant 0 : i32
    %cond3A_25 = arith.cmpi ne, %convert_element_type3A_23, %cond3A_24 : i32
    scf.if %cond3A_25 {
      %get3A_26 = arith.constant 0 : index
      %get3A_27 = arith.constant 0 : index
      %get3A_28 = vector.load %arg3[%get3A_26, %get3A_27] : memref<1024x128xf32, #tpu.memory_space<vmem>>, vector<1024x128xf32>
      %mul3A = arith.mulf %get3A_28, %get3A_28 : vector<1024x128xf32>
      %get3A_29 = arith.constant 0 : index
      %get3A_30 = arith.constant 0 : index
      %get3A_31 = vector.load %arg4[%get3A_29, %get3A_30] : memref<128x2048xf32, #tpu.memory_space<vmem>>, vector<128x2048xf32>
      %dot_general3A = arith.constant dense<0.000000e+00> : vector<1024x2048xf32>
      %dot_general3A_32 = tpu.matmul %get3A_28, %get3A_31, %dot_general3A {dimension_numbers = #tpu.dot_dimension_numbers<[1], [0], [0], [1], [0, 0, 1, 1], [], []>, transpose_lhs_hint = false} : vector<1024x128xf32>, vector<128x2048xf32>, vector<1024x2048xf32> -> vector<1024x2048xf32>
      %get3A_33 = arith.constant 0 : index
      %get3A_34 = arith.constant 0 : index
      %get3A_35 = vector.load %arg10[%get3A_33, %get3A_34] : memref<3x512xf32, #tpu.memory_space<vmem>>, vector<1x512xf32>
      %get3A_36 = arith.constant 1 : index
      %get3A_37 = arith.constant 0 : index
      %get3A_38 = vector.load %arg10[%get3A_36, %get3A_37] : memref<3x512xf32, #tpu.memory_space<vmem>>, vector<1x512xf32>
      %get3A_39 = arith.constant 2 : index
      %get3A_40 = arith.constant 0 : index
      %get3A_41 = vector.load %arg10[%get3A_39, %get3A_40] : memref<3x512xf32, #tpu.memory_space<vmem>>, vector<1x512xf32>
      %broadcast_in_dim3A = vector.shape_cast %and3A : vector<1024x1xi1> to vector<1024x1xi1>
      %broadcast_in_dim3A_42 = vector.broadcast %broadcast_in_dim3A : vector<1024x1xi1> to vector<1024x512xi1>
      %broadcast_in_dim3A_43 = vector.shape_cast %get3A_38 : vector<1x512xf32> to vector<1x512xf32>
      %broadcast_in_dim3A_44 = vector.broadcast %broadcast_in_dim3A_43 : vector<1x512xf32> to vector<1024x512xf32>
      %broadcast_in_dim3A_45 = vector.shape_cast %get3A_41 : vector<1x512xf32> to vector<1x512xf32>
      %broadcast_in_dim3A_46 = vector.broadcast %broadcast_in_dim3A_45 : vector<1x512xf32> to vector<1024x512xf32>
      %select_n3A = arith.select %broadcast_in_dim3A_42, %broadcast_in_dim3A_44, %broadcast_in_dim3A_46 : vector<1024x512xi1>, vector<1024x512xf32>
      %broadcast_in_dim3A_47 = vector.shape_cast %ge3A_5 : vector<1024x1xi1> to vector<1024x1xi1>
      %broadcast_in_dim3A_48 = vector.broadcast %broadcast_in_dim3A_47 : vector<1024x1xi1> to vector<1024x512xi1>
      %broadcast_in_dim3A_49 = vector.shape_cast %get3A_35 : vector<1x512xf32> to vector<1x512xf32>
      %broadcast_in_dim3A_50 = vector.broadcast %broadcast_in_dim3A_49 : vector<1x512xf32> to vector<1024x512xf32>
      %select_n3A_51 = arith.select %broadcast_in_dim3A_48, %broadcast_in_dim3A_50, %select_n3A : vector<1024x512xi1>, vector<1024x512xf32>
      %get3A_52 = arith.constant 0 : index
      %get3A_53 = arith.constant 0 : index
      %get3A_54 = vector.load %arg11[%get3A_52, %get3A_53] : memref<3x512xf32, #tpu.memory_space<vmem>>, vector<1x512xf32>
      %get3A_55 = arith.constant 1 : index
      %get3A_56 = arith.constant 0 : index
      %get3A_57 = vector.load %arg11[%get3A_55, %get3A_56] : memref<3x512xf32, #tpu.memory_space<vmem>>, vector<1x512xf32>
      %get3A_58 = arith.constant 2 : index
      %get3A_59 = arith.constant 0 : index
      %get3A_60 = vector.load %arg11[%get3A_58, %get3A_59] : memref<3x512xf32, #tpu.memory_space<vmem>>, vector<1x512xf32>
      %broadcast_in_dim3A_61 = vector.shape_cast %and3A : vector<1024x1xi1> to vector<1024x1xi1>
      %broadcast_in_dim3A_62 = vector.broadcast %broadcast_in_dim3A_61 : vector<1024x1xi1> to vector<1024x512xi1>
      %broadcast_in_dim3A_63 = vector.shape_cast %get3A_57 : vector<1x512xf32> to vector<1x512xf32>
      %broadcast_in_dim3A_64 = vector.broadcast %broadcast_in_dim3A_63 : vector<1x512xf32> to vector<1024x512xf32>
      %broadcast_in_dim3A_65 = vector.shape_cast %get3A_60 : vector<1x512xf32> to vector<1x512xf32>
      %broadcast_in_dim3A_66 = vector.broadcast %broadcast_in_dim3A_65 : vector<1x512xf32> to vector<1024x512xf32>
      %select_n3A_67 = arith.select %broadcast_in_dim3A_62, %broadcast_in_dim3A_64, %broadcast_in_dim3A_66 : vector<1024x512xi1>, vector<1024x512xf32>
      %broadcast_in_dim3A_68 = vector.shape_cast %ge3A_5 : vector<1024x1xi1> to vector<1024x1xi1>
      %broadcast_in_dim3A_69 = vector.broadcast %broadcast_in_dim3A_68 : vector<1024x1xi1> to vector<1024x512xi1>
      %broadcast_in_dim3A_70 = vector.shape_cast %get3A_54 : vector<1x512xf32> to vector<1x512xf32>
      %broadcast_in_dim3A_71 = vector.broadcast %broadcast_in_dim3A_70 : vector<1x512xf32> to vector<1024x512xf32>
      %select_n3A_72 = arith.select %broadcast_in_dim3A_69, %broadcast_in_dim3A_71, %select_n3A_67 : vector<1024x512xi1>, vector<1024x512xf32>
      %iota3A = tpu.iota {dimensions = array<i32: 1>} : vector<1024x512xi32>
      %slice3A = vector.extract_strided_slice %mul3A {offsets = [0, 0], sizes = [1024, 32], strides = [1, 1]} : vector<1024x128xf32> to vector<1024x32xf32>
      %reduce_sum3A = arith.constant dense<0.000000e+00> : vector<1024xf32>
      %reduce_sum3A_73 = vector.multi_reduction <add>, %slice3A, %reduce_sum3A [1] : vector<1024x32xf32> to vector<1024xf32>
      %broadcast_in_dim3A_74 = vector.shape_cast %reduce_sum3A_73 : vector<1024xf32> to vector<1024x1xf32>
      %slice3A_75 = vector.extract_strided_slice %dot_general3A_32 {offsets = [0, 0], sizes = [1024, 512], strides = [1, 1]} : vector<1024x2048xf32> to vector<1024x512xf32>
      %sub3A = vector.broadcast %broadcast_in_dim3A_74 : vector<1024x1xf32> to vector<1024x512xf32>
      %sub3A_76 = arith.subf %slice3A_75, %sub3A : vector<1024x512xf32>
      %get3A_77 = arith.constant 0 : index
      %get3A_78 = arith.constant 0 : index
      %get3A_79 = vector.load %arg7[%get3A_77, %get3A_78] : memref<1x2048xf32, #tpu.memory_space<vmem>>, vector<1x512xf32>
      %sub3A_80 = vector.broadcast %get3A_79 : vector<1x512xf32> to vector<1024x512xf32>
      %sub3A_81 = arith.subf %sub3A_76, %sub3A_80 : vector<1024x512xf32>
      %mul3A_82 = arith.mulf %sub3A_81, %select_n3A_51 : vector<1024x512xf32>
      %add3A = arith.addf %mul3A_82, %select_n3A_72 : vector<1024x512xf32>
      %reduce_max3A = arith.constant dense<0xFF800000> : vector<1024xf32>
      %reduce_max3A_83 = vector.multi_reduction <maximumf>, %add3A, %reduce_max3A [1] : vector<1024x512xf32> to vector<1024xf32>
      %broadcast_in_dim3A_84 = vector.shape_cast %reduce_max3A_83 : vector<1024xf32> to vector<1024x1xf32>
      %eq3A_85 = vector.broadcast %broadcast_in_dim3A_84 : vector<1024x1xf32> to vector<1024x512xf32>
      %eq3A_86 = arith.cmpf oeq, %add3A, %eq3A_85 : vector<1024x512xf32>
      %jit3A = arith.constant 512 : i32
      %broadcast_in_dim3A_87 = vector.broadcast %jit3A : i32 to vector<1024x512xi32>
      %select_n3A_88 = arith.select %eq3A_86, %iota3A, %broadcast_in_dim3A_87 : vector<1024x512xi1>, vector<1024x512xi32>
      %reduce_min3A = arith.constant dense<2147483647> : vector<1024xi32>
      %reduce_min3A_89 = vector.multi_reduction <minsi>, %select_n3A_88, %reduce_min3A [1] : vector<1024x512xi32> to vector<1024xi32>
      %broadcast_in_dim3A_90 = vector.shape_cast %reduce_min3A_89 : vector<1024xi32> to vector<1024x1xi32>
      %eq3A_91 = vector.broadcast %broadcast_in_dim3A_90 : vector<1024x1xi32> to vector<1024x512xi32>
      %eq3A_92 = arith.cmpi eq, %iota3A, %eq3A_91 : vector<1024x512xi32>
      %convert_element_type3A_93 = arith.extui %eq3A_92 : vector<1024x512xi1> to vector<1024x512xi32>
      %convert_element_type3A_94 = arith.sitofp %convert_element_type3A_93 : vector<1024x512xi32> to vector<1024x512xf32>
      %slice3A_95 = vector.extract_strided_slice %mul3A {offsets = [0, 32], sizes = [1024, 32], strides = [1, 1]} : vector<1024x128xf32> to vector<1024x32xf32>
      %reduce_sum3A_96 = arith.constant dense<0.000000e+00> : vector<1024xf32>
      %reduce_sum3A_97 = vector.multi_reduction <add>, %slice3A_95, %reduce_sum3A_96 [1] : vector<1024x32xf32> to vector<1024xf32>
      %broadcast_in_dim3A_98 = vector.shape_cast %reduce_sum3A_97 : vector<1024xf32> to vector<1024x1xf32>
      %slice3A_99 = vector.extract_strided_slice %dot_general3A_32 {offsets = [0, 512], sizes = [1024, 512], strides = [1, 1]} : vector<1024x2048xf32> to vector<1024x512xf32>
      %sub3A_100 = vector.broadcast %broadcast_in_dim3A_98 : vector<1024x1xf32> to vector<1024x512xf32>
      %sub3A_101 = arith.subf %slice3A_99, %sub3A_100 : vector<1024x512xf32>
      %get3A_102 = arith.constant 0 : index
      %get3A_103 = arith.constant 512 : index
      %get3A_104 = vector.load %arg7[%get3A_102, %get3A_103] : memref<1x2048xf32, #tpu.memory_space<vmem>>, vector<1x512xf32>
      %sub3A_105 = vector.broadcast %get3A_104 : vector<1x512xf32> to vector<1024x512xf32>
      %sub3A_106 = arith.subf %sub3A_101, %sub3A_105 : vector<1024x512xf32>
      %mul3A_107 = arith.mulf %sub3A_106, %select_n3A_51 : vector<1024x512xf32>
      %add3A_108 = arith.addf %mul3A_107, %select_n3A_72 : vector<1024x512xf32>
      %reduce_max3A_109 = arith.constant dense<0xFF800000> : vector<1024xf32>
      %reduce_max3A_110 = vector.multi_reduction <maximumf>, %add3A_108, %reduce_max3A_109 [1] : vector<1024x512xf32> to vector<1024xf32>
      %broadcast_in_dim3A_111 = vector.shape_cast %reduce_max3A_110 : vector<1024xf32> to vector<1024x1xf32>
      %eq3A_112 = vector.broadcast %broadcast_in_dim3A_111 : vector<1024x1xf32> to vector<1024x512xf32>
      %eq3A_113 = arith.cmpf oeq, %add3A_108, %eq3A_112 : vector<1024x512xf32>
      %jit3A_114 = arith.constant 512 : i32
      %broadcast_in_dim3A_115 = vector.broadcast %jit3A_114 : i32 to vector<1024x512xi32>
      %select_n3A_116 = arith.select %eq3A_113, %iota3A, %broadcast_in_dim3A_115 : vector<1024x512xi1>, vector<1024x512xi32>
      %reduce_min3A_117 = arith.constant dense<2147483647> : vector<1024xi32>
      %reduce_min3A_118 = vector.multi_reduction <minsi>, %select_n3A_116, %reduce_min3A_117 [1] : vector<1024x512xi32> to vector<1024xi32>
      %broadcast_in_dim3A_119 = vector.shape_cast %reduce_min3A_118 : vector<1024xi32> to vector<1024x1xi32>
      %eq3A_120 = vector.broadcast %broadcast_in_dim3A_119 : vector<1024x1xi32> to vector<1024x512xi32>
      %eq3A_121 = arith.cmpi eq, %iota3A, %eq3A_120 : vector<1024x512xi32>
      %convert_element_type3A_122 = arith.extui %eq3A_121 : vector<1024x512xi1> to vector<1024x512xi32>
      %convert_element_type3A_123 = arith.sitofp %convert_element_type3A_122 : vector<1024x512xi32> to vector<1024x512xf32>
      %slice3A_124 = vector.extract_strided_slice %mul3A {offsets = [0, 64], sizes = [1024, 32], strides = [1, 1]} : vector<1024x128xf32> to vector<1024x32xf32>
      %reduce_sum3A_125 = arith.constant dense<0.000000e+00> : vector<1024xf32>
      %reduce_sum3A_126 = vector.multi_reduction <add>, %slice3A_124, %reduce_sum3A_125 [1] : vector<1024x32xf32> to vector<1024xf32>
      %broadcast_in_dim3A_127 = vector.shape_cast %reduce_sum3A_126 : vector<1024xf32> to vector<1024x1xf32>
      %slice3A_128 = vector.extract_strided_slice %dot_general3A_32 {offsets = [0, 1024], sizes = [1024, 512], strides = [1, 1]} : vector<1024x2048xf32> to vector<1024x512xf32>
      %sub3A_129 = vector.broadcast %broadcast_in_dim3A_127 : vector<1024x1xf32> to vector<1024x512xf32>
      %sub3A_130 = arith.subf %slice3A_128, %sub3A_129 : vector<1024x512xf32>
      %get3A_131 = arith.constant 0 : index
      %get3A_132 = arith.constant 1024 : index
      %get3A_133 = vector.load %arg7[%get3A_131, %get3A_132] : memref<1x2048xf32, #tpu.memory_space<vmem>>, vector<1x512xf32>
      %sub3A_134 = vector.broadcast %get3A_133 : vector<1x512xf32> to vector<1024x512xf32>
      %sub3A_135 = arith.subf %sub3A_130, %sub3A_134 : vector<1024x512xf32>
      %mul3A_136 = arith.mulf %sub3A_135, %select_n3A_51 : vector<1024x512xf32>
      %add3A_137 = arith.addf %mul3A_136, %select_n3A_72 : vector<1024x512xf32>
      %reduce_max3A_138 = arith.constant dense<0xFF800000> : vector<1024xf32>
      %reduce_max3A_139 = vector.multi_reduction <maximumf>, %add3A_137, %reduce_max3A_138 [1] : vector<1024x512xf32> to vector<1024xf32>
      %broadcast_in_dim3A_140 = vector.shape_cast %reduce_max3A_139 : vector<1024xf32> to vector<1024x1xf32>
      %eq3A_141 = vector.broadcast %broadcast_in_dim3A_140 : vector<1024x1xf32> to vector<1024x512xf32>
      %eq3A_142 = arith.cmpf oeq, %add3A_137, %eq3A_141 : vector<1024x512xf32>
      %jit3A_143 = arith.constant 512 : i32
      %broadcast_in_dim3A_144 = vector.broadcast %jit3A_143 : i32 to vector<1024x512xi32>
      %select_n3A_145 = arith.select %eq3A_142, %iota3A, %broadcast_in_dim3A_144 : vector<1024x512xi1>, vector<1024x512xi32>
      %reduce_min3A_146 = arith.constant dense<2147483647> : vector<1024xi32>
      %reduce_min3A_147 = vector.multi_reduction <minsi>, %select_n3A_145, %reduce_min3A_146 [1] : vector<1024x512xi32> to vector<1024xi32>
      %broadcast_in_dim3A_148 = vector.shape_cast %reduce_min3A_147 : vector<1024xi32> to vector<1024x1xi32>
      %eq3A_149 = vector.broadcast %broadcast_in_dim3A_148 : vector<1024x1xi32> to vector<1024x512xi32>
      %eq3A_150 = arith.cmpi eq, %iota3A, %eq3A_149 : vector<1024x512xi32>
      %convert_element_type3A_151 = arith.extui %eq3A_150 : vector<1024x512xi1> to vector<1024x512xi32>
      %convert_element_type3A_152 = arith.sitofp %convert_element_type3A_151 : vector<1024x512xi32> to vector<1024x512xf32>
      %slice3A_153 = vector.extract_strided_slice %mul3A {offsets = [0, 96], sizes = [1024, 32], strides = [1, 1]} : vector<1024x128xf32> to vector<1024x32xf32>
      %reduce_sum3A_154 = arith.constant dense<0.000000e+00> : vector<1024xf32>
      %reduce_sum3A_155 = vector.multi_reduction <add>, %slice3A_153, %reduce_sum3A_154 [1] : vector<1024x32xf32> to vector<1024xf32>
      %broadcast_in_dim3A_156 = vector.shape_cast %reduce_sum3A_155 : vector<1024xf32> to vector<1024x1xf32>
      %slice3A_157 = vector.extract_strided_slice %dot_general3A_32 {offsets = [0, 1536], sizes = [1024, 512], strides = [1, 1]} : vector<1024x2048xf32> to vector<1024x512xf32>
      %sub3A_158 = vector.broadcast %broadcast_in_dim3A_156 : vector<1024x1xf32> to vector<1024x512xf32>
      %sub3A_159 = arith.subf %slice3A_157, %sub3A_158 : vector<1024x512xf32>
      %get3A_160 = arith.constant 0 : index
      %get3A_161 = arith.constant 1536 : index
      %get3A_162 = vector.load %arg7[%get3A_160, %get3A_161] : memref<1x2048xf32, #tpu.memory_space<vmem>>, vector<1x512xf32>
      %sub3A_163 = vector.broadcast %get3A_162 : vector<1x512xf32> to vector<1024x512xf32>
      %sub3A_164 = arith.subf %sub3A_159, %sub3A_163 : vector<1024x512xf32>
      %mul3A_165 = arith.mulf %sub3A_164, %select_n3A_51 : vector<1024x512xf32>
      %add3A_166 = arith.addf %mul3A_165, %select_n3A_72 : vector<1024x512xf32>
      %reduce_max3A_167 = arith.constant dense<0xFF800000> : vector<1024xf32>
      %reduce_max3A_168 = vector.multi_reduction <maximumf>, %add3A_166, %reduce_max3A_167 [1] : vector<1024x512xf32> to vector<1024xf32>
      %broadcast_in_dim3A_169 = vector.shape_cast %reduce_max3A_168 : vector<1024xf32> to vector<1024x1xf32>
      %eq3A_170 = vector.broadcast %broadcast_in_dim3A_169 : vector<1024x1xf32> to vector<1024x512xf32>
      %eq3A_171 = arith.cmpf oeq, %add3A_166, %eq3A_170 : vector<1024x512xf32>
      %jit3A_172 = arith.constant 512 : i32
      %broadcast_in_dim3A_173 = vector.broadcast %jit3A_172 : i32 to vector<1024x512xi32>
      %select_n3A_174 = arith.select %eq3A_171, %iota3A, %broadcast_in_dim3A_173 : vector<1024x512xi1>, vector<1024x512xi32>
      %reduce_min3A_175 = arith.constant dense<2147483647> : vector<1024xi32>
      %reduce_min3A_176 = vector.multi_reduction <minsi>, %select_n3A_174, %reduce_min3A_175 [1] : vector<1024x512xi32> to vector<1024xi32>
      %broadcast_in_dim3A_177 = vector.shape_cast %reduce_min3A_176 : vector<1024xi32> to vector<1024x1xi32>
      %eq3A_178 = vector.broadcast %broadcast_in_dim3A_177 : vector<1024x1xi32> to vector<1024x512xi32>
      %eq3A_179 = arith.cmpi eq, %iota3A, %eq3A_178 : vector<1024x512xi32>
      %convert_element_type3A_180 = arith.extui %eq3A_179 : vector<1024x512xi1> to vector<1024x512xi32>
      %convert_element_type3A_181 = arith.sitofp %convert_element_type3A_180 : vector<1024x512xi32> to vector<1024x512xf32>
      %concatenate3A = tpu.concatenate %convert_element_type3A_94, %convert_element_type3A_123, %convert_element_type3A_152, %convert_element_type3A_181 in 1 : vector<1024x512xf32>, vector<1024x512xf32>, vector<1024x512xf32>, vector<1024x512xf32> -> vector<1024x2048xf32>
      %get3A_182 = arith.constant 0 : index
      %get3A_183 = arith.constant 0 : index
      %get3A_184 = vector.load %arg5[%get3A_182, %get3A_183] : memref<2048x128xf32, #tpu.memory_space<vmem>>, vector<2048x128xf32>
      %dot_general3A_185 = arith.constant dense<0.000000e+00> : vector<1024x128xf32>
      %dot_general3A_186 = tpu.matmul %concatenate3A, %get3A_184, %dot_general3A_185 {dimension_numbers = #tpu.dot_dimension_numbers<[1], [0], [0], [1], [0, 0, 1, 1], [], []>, transpose_lhs_hint = false} : vector<1024x2048xf32>, vector<2048x128xf32>, vector<1024x128xf32> -> vector<1024x128xf32>
      %swap3A = arith.constant 0 : index
      %swap3A_187 = arith.constant 0 : index
      %swap3A_188 = vector.load %arg6[%swap3A, %swap3A_187] : memref<1024x128xf32, #tpu.memory_space<vmem>>, vector<1024x128xf32>
      tpu.vector_store %arg6[%swap3A, %swap3A_187], %dot_general3A_186 {strides = array<i32>} : memref<1024x128xf32, #tpu.memory_space<vmem>>, vector<1024x128xf32>,
    } else {
    }
    return
  }
  func.func @transform_0(%arg0: i32) -> (i32, i32) {
    %jit3A = arith.constant 16 : i32
    %eq3A = arith.constant 0 : i32
    %eq3A_0 = arith.cmpi eq, %jit3A, %eq3A : i32
    %jit3A_1 = arith.constant 1 : i32
    %select_n3A = arith.select %eq3A_0, %jit3A_1, %jit3A : i32
    %rem3A = arith.remsi %arg0, %select_n3A : i32
    %ne3A = arith.constant 0 : i32
    %ne3A_2 = arith.cmpi ne, %rem3A, %ne3A : i32
    %lt3A = arith.constant 0 : i32
    %lt3A_3 = arith.cmpi slt, %rem3A, %lt3A : i32
    %lt3A_4 = arith.constant 0 : i32
    %lt3A_5 = arith.cmpi slt, %select_n3A, %lt3A_4 : i32
    %ne3A_6 = arith.xori %lt3A_3, %lt3A_5 : i1
    %and3A = arith.andi %ne3A_6, %ne3A_2 : i1
    %add3A = arith.addi %rem3A, %select_n3A : i32
    %select_n3A_7 = arith.select %and3A, %add3A, %rem3A : i32
    %c0_i32 = arith.constant 0 : i32
    %c0_i32_8 = arith.constant 0 : i32
    return %select_n3A_7, %c0_i32 : i32, i32
  }
  func.func @transform_1(%arg0: i32) -> (i32, i32, i32) {
    %jit3A = arith.constant 16 : i32
    %eq3A = arith.constant 0 : i32
    %eq3A_0 = arith.cmpi eq, %jit3A, %eq3A : i32
    %jit3A_1 = arith.constant 1 : i32
    %select_n3A = arith.select %eq3A_0, %jit3A_1, %jit3A : i32
    %rem3A = arith.remsi %arg0, %select_n3A : i32
    %ne3A = arith.constant 0 : i32
    %ne3A_2 = arith.cmpi ne, %rem3A, %ne3A : i32
    %lt3A = arith.constant 0 : i32
    %lt3A_3 = arith.cmpi slt, %rem3A, %lt3A : i32
    %lt3A_4 = arith.constant 0 : i32
    %lt3A_5 = arith.cmpi slt, %select_n3A, %lt3A_4 : i32
    %ne3A_6 = arith.xori %lt3A_3, %lt3A_5 : i1
    %and3A = arith.andi %ne3A_6, %ne3A_2 : i1
    %add3A = arith.addi %rem3A, %select_n3A : i32
    %select_n3A_7 = arith.select %and3A, %add3A, %rem3A : i32
    %c0_i32 = arith.constant 0 : i32
    %c0_i32_8 = arith.constant 0 : i32
    %c0_i32_9 = arith.constant 0 : i32
    return %select_n3A_7, %c0_i32, %c0_i32_8 : i32, i32, i32
  }
  func.func @transform_2(%arg0: i32) -> (i32, i32) {
    %jit3A = arith.constant 16 : i32
    %eq3A = arith.constant 0 : i32
    %eq3A_0 = arith.cmpi eq, %jit3A, %eq3A : i32
    %jit3A_1 = arith.constant 1 : i32
    %select_n3A = arith.select %eq3A_0, %jit3A_1, %jit3A : i32
    %rem3A = arith.remsi %arg0, %select_n3A : i32
    %ne3A = arith.constant 0 : i32
    %ne3A_2 = arith.cmpi ne, %rem3A, %ne3A : i32
    %lt3A = arith.constant 0 : i32
    %lt3A_3 = arith.cmpi slt, %rem3A, %lt3A : i32
    %lt3A_4 = arith.constant 0 : i32
    %lt3A_5 = arith.cmpi slt, %select_n3A, %lt3A_4 : i32
    %ne3A_6 = arith.xori %lt3A_3, %lt3A_5 : i1
    %and3A = arith.andi %ne3A_6, %ne3A_2 : i1
    %add3A = arith.addi %rem3A, %select_n3A : i32
    %select_n3A_7 = arith.select %and3A, %add3A, %rem3A : i32
    %c0_i32 = arith.constant 0 : i32
    %c0_i32_8 = arith.constant 0 : i32
    return %select_n3A_7, %c0_i32 : i32, i32
  }
  func.func @transform_3(%arg0: i32) -> (i32, i32) {
    %c0_i32 = arith.constant 0 : i32
    %c0_i32_0 = arith.constant 0 : i32
    %c0_i32_1 = arith.constant 0 : i32
    return %c0_i32, %c0_i32_0 : i32, i32
  }
  func.func @transform_4(%arg0: i32) -> (i32, i32) {
    %c0_i32 = arith.constant 0 : i32
    %c0_i32_0 = arith.constant 0 : i32
    %c0_i32_1 = arith.constant 0 : i32
    return %c0_i32, %c0_i32_0 : i32, i32
  }
  func.func @transform_5(%arg0: i32) -> (i32, i32) {
    %jit3A = arith.constant 16 : i32
    %eq3A = arith.constant 0 : i32
    %eq3A_0 = arith.cmpi eq, %jit3A, %eq3A : i32
    %jit3A_1 = arith.constant 1 : i32
    %select_n3A = arith.select %eq3A_0, %jit3A_1, %jit3A : i32
    %rem3A = arith.remsi %arg0, %select_n3A : i32
    %ne3A = arith.constant 0 : i32
    %ne3A_2 = arith.cmpi ne, %rem3A, %ne3A : i32
    %lt3A = arith.constant 0 : i32
    %lt3A_3 = arith.cmpi slt, %rem3A, %lt3A : i32
    %lt3A_4 = arith.constant 0 : i32
    %lt3A_5 = arith.cmpi slt, %select_n3A, %lt3A_4 : i32
    %ne3A_6 = arith.xori %lt3A_3, %lt3A_5 : i1
    %and3A = arith.andi %ne3A_6, %ne3A_2 : i1
    %add3A = arith.addi %rem3A, %select_n3A : i32
    %select_n3A_7 = arith.select %and3A, %add3A, %rem3A : i32
    %c0_i32 = arith.constant 0 : i32
    %c0_i32_8 = arith.constant 0 : i32
    return %select_n3A_7, %c0_i32 : i32, i32
  }
}

</mosaic_0001>

<sc_bundles>
// kernel: kernel.4.cloned.1.call-start
scs
__scs_entry_jumppad:
0x0: {  	(pc) =	sbr.rel $0x88, $3  }
0x1: {  	(tag) =	ssettag $0x0;
	lr =	simm.s32 $0x1  }
0x2: {  	[smem:$0x3F9E] =	sst lr;
	_ =	strace $0xD0000000  }
0x3: {  	_ = 	snop  }
0x4: {  	_ = 	snop  }
0x5: {  	_ = 	snop  }
0x6: {  	_ = 	snop  }
0x7: {  	_ = 	snop  }
__scs_overlays_trampoline_lowered:
0x8: {  	[smem:$0x3FAD] =	sst s0  }
0x9: {  	[smem:$0x3FAE] =	sst s1  }
0xa: {  	[smem:$0x3FAF] =	sst s2  }
0xb: {  	[smem:$0x3FB0] =	sst s3  }
0xc: {  	[smem:$0x3FB1] =	sst s4  }
0xd: {  	[smem:$0x3FB2] =	sst s5  }
0xe: {  	[smem:$0x3FB3] =	sst s6  }
0xf: {  	[smem:$0x3FB4] =	sst s7  }
0x10: {  	[smem:$0x3FB5] =	sst s8  }
0x11: {  	[smem:$0x3FB6] =	sst s9;
	s0 =	simm.s32 @!p0 $0x0  }
0x12: {  	s1 =	sld [smem:$0x3F9C];
	s0 =	simm.s32 @p0 $0x1  }
0x13: {  	[smem:$0x3FB7] =	sst s0;
	s0 =	simm.s32 @!p1 $0x0  }
0x14: {  	s2 =	sld [smem:$0x3F9B];
	s0 =	simm.s32 @p1 $0x1  }
0x15: {  	[smem:$0x3FB8] =	sst s0;
	s0 =	simm.s32 @!p2 $0x0  }
0x16: {  	s3 =	sld [smem:$0x3FDB];
	s0 =	simm.s32 @p2 $0x1  }
0x17: {  	s4 =	simm.s32 $0x1BF5;
	[smem:$0x3FBA] =	sst s0  }
0x18: {  	s0 =	sld [smem:$0x3F9D];
	_ =	swait.ge [sflag:s4], $0x0  }
0x19: {  	s7 =	sld [smem:$0x3F9E]  }
0x1a: {  	s8 =	sadd.s32 $0xFFFFE003, lr  }
0x1b: {  	s9 =	sadd.s32 $0xFFFFFEF7, lr;
	s5 =	simm.s32 $0xFFFFFFFF;
	p2 =	slt.u32 s8, $0xFFFFF086  }
0x1c: {  	p1 =	slt.u32 s9, $0xF7A;
	s5 =	simm.s32 @!p2 $0x0  }
0x1d: {  	s5 =	simm.s32 @p1 $0x1;
	p0 =	seq.s32 s7, s2  }
0x1e: {  	s7 =	smul.u32 @!p0 $0xF7A, s2;
	p2 =	seq.s32 @!p0 s5, $0x0  }
0x1f: {  	s9 =	smul.u32 $0xF7A, s1;
	s8 =	simm.s32 @!p0 $0x1BF5;
	p2 =	por !p2, p0  }
0x20: {  	[sflag:s8] =	ssyncset.s32 @!p0 $0xFFFFF086;
	s6 =	sadd.s32 @!p0 s3, s7;
	s7 =	simm.s32 @!p0 $0x108  }
0x21: {  	s3 =	sadd.s32 s3, s9;
	s6 =	sadd.s32 @!p0 $0x88, s6;
	s7 =	simm.s32 @p2 $0x1082  }
0x22: {  	[simem:s7], [sflag:s8] =	dma.local @!p0 [hbm:s6], $0xF7A  }
0x23: {  	s9 =	sor.u32 $0xD0000000, s2;
	s6 =	simm.s32 $0x108;
	_ =	swait.ge @!p0 [sflag:s8], $0x0  }
0x24: {  	s3 =	sadd.s32 $0x88, s3;
	s6 =	simm.s32 @!p1 $0x1082;
	[sflag:s4] =	ssyncset.s32 $0xFFFFF086  }
0x25: {  	[simem:s6], [sflag:s4] =	dma.local [hbm:s3], $0xF7A  }
0x26: {  	[smem:$0x3F9E] =	sst s1;
	(tag) =	ssettag s2;
	_ =	strace s9  }
0x27: {  	s1 =	sld [smem:$0x3FAE]  }
0x28: {  	s2 =	sld [smem:$0x3FAF]  }
0x29: {  	s4 =	sld [smem:$0x3FB1]  }
0x2a: {  	p0 =	seq.s32 s5, $0x0;
	s5 =	sld [smem:$0x3FB2]  }
0x2b: {  	s6 =	sld [smem:$0x3FB3]  }
0x2c: {  	s7 =	sld [smem:$0x3FB4]  }
0x2d: {  	s3 =	simm.s32 $0x108;
	s8 =	sld [smem:$0x3FB5]  }
0x2e: {  	s3 =	simm.s32 @!p0 $0x1082;
	s9 =	sld [smem:$0x3FB6]  }
0x2f: {  	lr =	sadd.s32 s0, s3;
	s0 =	sld [smem:$0x3FAD]  }
0x30: {  	s3 =	sld [smem:$0x3FB0]  }
0x31: {  	[smem:$0x3FB9] =	sst s10  }
0x32: {  	s10 =	sld [smem:$0x3FB7];
	_ =	sdelay $0x3  }
0x33: {  	p0 =	seq.s32 s10, $0x1;
	s10 =	sld [smem:$0x3FB9];
	_ =	sdelay $0x3  }
0x34: {  	[smem:$0x3FB9] =	sst s10  }
0x35: {  	s10 =	sld [smem:$0x3FB8];
	_ =	sdelay $0x3  }
0x36: {  	p1 =	seq.s32 s10, $0x1;
	s10 =	sld [smem:$0x3FB9];
	_ =	sdelay $0x3  }
0x37: {  	[smem:$0x3FB9] =	sst s10  }
0x38: {  	s10 =	sld [smem:$0x3FBA]  }
0x39: {  	_ = 	snop;
	(pc) =	sbr.ind lr, $3  }
0x3a: {  	_ = 	snop  }
0x3b: {  	_ = 	snop  }
0x3c: {  	p2 =	seq.s32 s10, $0x1;
	s10 =	sld [smem:$0x3FB9]  }
0x3d: {  	_ =	shalt  }
0x3e: {  	_ =	shalt  }
0x3f: {  	_ =	shalt  }
0x40: {  	_ =	shalt  }
0x41: {  	_ =	shalt  }
0x42: {  	_ =	shalt  }
0x43: {  	_ =	shalt  }
0x44: {  	_ =	shalt  }
0x45: {  	_ =	shalt  }
0x46: {  	_ =	shalt  }
0x47: {  	_ =	shalt  }
0x48: {  	_ =	shalt  }
0x49: {  	_ =	shalt  }
0x4a: {  	_ =	shalt  }
0x4b: {  	_ =	shalt  }
0x4c: {  	_ =	shalt  }
0x4d: {  	_ =	shalt  }
0x4e: {  	_ =	shalt  }
0x4f: {  	_ =	shalt  }
0x50: {  	_ =	shalt  }
0x51: {  	_ =	shalt  }
0x52: {  	_ =	shalt  }
0x53: {  	_ =	shalt  }
0x54: {  	_ =	shalt  }
0x55: {  	_ =	shalt  }
0x56: {  	_ =	shalt  }
0x57: {  	_ =	shalt  }
0x58: {  	_ =	shalt  }
0x59: {  	_ =	shalt  }
0x5a: {  	_ =	shalt  }
0x5b: {  	_ =	shalt  }
0x5c: {  	_ =	shalt  }
0x5d: {  	_ =	shalt  }
0x5e: {  	_ =	shalt  }
0x5f: {  	_ =	shalt  }
0x60: {  	_ =	shalt  }
0x61: {  	_ =	shalt  }
0x62: {  	_ =	shalt  }
0x63: {  	_ =	shalt  }
0x64: {  	_ =	shalt  }
0x65: {  	_ =	shalt  }
0x66: {  	_ =	shalt  }
0x67: {  	_ =	shalt  }
0x68: {  	_ =	shalt  }
0x69: {  	_ =	shalt  }
0x6a: {  	_ =	shalt  }
0x6b: {  	_ =	shalt  }
0x6c: {  	_ =	shalt  }
0x6d: {  	_ =	shalt  }
0x6e: {  	_ =	shalt  }
0x6f: {  	_ =	shalt  }
0x70: {  	_ =	shalt  }
0x71: {  	_ =	shalt  }
0x72: {  	_ =	shalt  }
0x73: {  	_ =	shalt  }
0x74: {  	_ =	shalt  }
0x75: {  	_ =	shalt  }
0x76: {  	_ =	shalt  }
0x77: {  	_ =	shalt  }
0x78: {  	_ =	shalt  }
0x79: {  	_ =	shalt  }
0x7a: {  	_ =	shalt  }
0x7b: {  	_ =	shalt  }
0x7c: {  	_ =	shalt  }
0x7d: {  	_ =	shalt  }
0x7e: {  	_ =	shalt  }
0x7f: {  	_ =	shalt  }
0x80: {  	_ =	shalt  }
0x81: {  	_ =	shalt  }
0x82: {  	_ =	shalt  }
0x83: {  	_ =	shalt  }
0x84: {  	_ =	shalt  }
0x85: {  	_ =	shalt  }
0x86: {  	_ =	shalt  }
0x87: {  	_ =	shalt  }
.Lfunc_end0:
.L_simem_size_0:
called_computation_lowered:
.L_overlay_start_0:
0x88: {  	s2 =	sld [smem:$0x3FD9]  }
0x89: {  	s3 =	sld [smem:$0x3FFE];
	_ =	sdelay $0x1  }
0x8a: {  	s1 =	srdreg.scid  }
0x8b: {  	s0 =	sand.u32 $0x1, s1  }
0x8c: {  	s18 =	sshll.u32 s0, $0xA;
	s2 =	sadd.s32 s3, s2  }
0x8d: {  	s2 =	sadd.s32 s2, s18  }
0x8e: {  	[smem:$0x3FC5] =	sst s2  }
0x8f: {  	_ = 	snop  }
0x90: {  	s2 =	sld [smem:$0x3FC9]  }
0x91: {  	s19 =	sld [smem:$0x3FC8]  }
0x92: {  	s4 =	sld [smem:$0x3FD0];
	(tm) =	ssettm $0x1  }
0x93: {  	s5 =	sld [smem:$0x3FFB];
	_ =	sdelay $0x3  }
0x94: {  	_ =	strace s5  }
0x95: {  	s5 =	sld [smem:$0x3FFC];
	_ =	sdelay $0x3  }
0x96: {  	_ =	strace s5  }
0x97: {  	s5 =	sld [smem:$0x3FFD];
	_ =	sdelay $0x3  }
0x98: {  	_ =	strace s5  }
0x99: {  	_ =	strace $0x8FFFFFFF  }
0x9a: {  	s20 =	sld [smem:$0x3FDB];
	_ =	sdelay $0x1  }
0x9b: {  	s6 =	simm.s32 $_scs_section_size  }
0x9c: {  	s7 =	simm.s32 $_size__tile_overlayer_lowered;
	s8 =	simm.s32 $_tile_overlayer_lowered  }
0x9d: {  	s23 =	simm.s32 $0x1BFF;
	s22 =	sshll.u32 s8, $0x1;
	s5 =	sadd.s32 s6, s20  }
0x9e: {  	s9 =	simm.s32 $0x0;
	s21 =	sshll.u32 s7, $0x1;
	s7 =	sadd.s32 s22, s5  }
0x9f: {  	[timem:s9], [sflag:s23] =	dma.local [hbm:s7], s21  }
0xa0: {  	_ =	swait.ge [sflag:s23], s21  }
0xa1: {  	s6 =	ssub.s32 $0x0, s21;
	[sflag:s23] =	ssyncset.done $0x0  }
0xa2: {  	[sflag:s23] =	ssyncadd.s32 s6;
	_ =	sdelay $0x1  }
0xa3: {  	s24 =	simm.s32 $0x1B8B  }
0xa4: {  	_ =	swait.ge [sflag:s24], $0x1  }
0xa5: {  	[sflag:s24] =	ssyncset.done $0x0  }
0xa6: {  	s25 =	simm.s32 $0x1B8E;
	[sflag:s24] =	ssyncadd.s32 $0xFFFFFFFF  }
0xa7: {  	s26 =	simm.s32 $execute0_lowered;
	[smem:$0x3FD2] =	sst s25  }
0xa8: {  	s6 =	sshll.u32 s26, $0x1;
	_ =	strace $0x80000046;
	[dreg:$0x1] =	wrdreg $0xFFFFFFFF  }
0xa9: {  	s28 =	simm.s32 $_size_execute0_lowered;
	s5 =	sadd.s32 s5, s6;
	[dreg:$0x0] =	wrdreg $0x0  }
0xaa: {  	s6 =	sshll.u32 s28, $0x1;
	[dreg:$0x2] =	wrdreg s5  }
0xab: {  	[dreg:$0x3] =	wrdreg s6  }
0xac: {  	[dreg:$0x4] =	wrdreg $0xC0  }
0xad: {  	_ =	task [dreg:s9], $0x5FFFF  }
0xae: {  	[dreg:$0x1] =	wrdreg $0xFFFFFFFF  }
0xaf: {  	[dreg:$0x0] =	wrdreg $0x60  }
0xb0: {  	[dreg:$0x2] =	wrdreg s19  }
0xb1: {  	[dreg:$0x3] =	wrdreg s2  }
0xb2: {  	[dreg:$0x4] =	wrdreg s4  }
0xb3: {  	[dreg:$0x5] =	wrdreg $0x9  }
0xb4: {  	_ =	task.clear_ibuf [dreg:s9], $0x6FFFF;
	_ =	strace $0x90000046  }
0xb5: {  	s29 =	simm.s32 $0x9;
	_ =	strace $0x80000048  }
0xb6: {  	_ =	swait.ge [sflag:s29], $0x1  }
0xb7: {  	[sflag:s29] =	ssyncadd.s32 $0xFFFFFFFF  }
0xb8: {  	_ =	strace $0x90000048  }
0xb9: {  	_ =	sfence  }
0xba: {  	s30 =	sld [smem:$0x0];
	_ =	sdelay $0x2  }
0xbb: {  	s31 =	sshll.u32 s1, $0xD;
	s1 =	sshrl.u32 s1, $0x2  }
0xbc: {  	s3 =	sand.u32 $0x4000, s31;
	s1 =	sadd.s32 s1, s30  }
0xbd: {  	s0 =	sor.u32 s3, s0;
	s1 =	sshll.u32 s1, $0x11  }
0xbe: {  	s0 =	sor.u32 s1, s0  }
0xbf: {  	s0 =	sadd.s32 $0x8F2B, s0  }
0xc0: {  	[sflag:s0] =	ssyncadd.remote.s32 $0x1  }
0xc1: {  	_ =	sfence.sel $0xFFFF  }
0xc2: {  	[dreg:$0x0] =	wrdreg $0xFFFFFFFF;
	(pc) =	sbr.abs _section_cstart, $3  }
0xc3: {  	[dreg:$0x1] =	wrdreg $0xFFFFFFFF  }
0xc4: {  	_ =	task.clear_ibuf [dreg:s9], $0x2FFFF;
	_ =	strace $0x9FFFFFFF  }
0xc5: {  	(tm) =	ssettm $0x7FFFFFFF  }
tec
execute0_lowered:
.L_overlay_start_1:
0x0: {  	(tag) =	ssettag $0x1  }
0x1: {  	s1 =	rddreg [dreg:$0x0]  }
0x2: {  	s2 =	srdreg.scid;
	s4 =	rddreg [dreg:$0x1]  }
0x3: {  	s0 =	stileid.u32;
	s8 =	rddreg [dreg:$0x2];
	s6 =	sand.u32 $0x1, s2  }
0x4: {  	s3 =	simm.s32 $0x0;
	s5 =	sshll.u32 s0, $0xA;
	s7 =	sshll.u32 s6, $0x9  }
0x5: {  	[smem:$0x7FF] =	sst s3;
	s9 =	sor.u32 s7, s5  }
0x6: {  	s2 =	rddreg [dreg:$0x3];
	_ =	strace $0x80000047;
	s5 =	sshrl.u32 s9, $0x3  }
0x7: {  	s10 =	ssub.s32 $0x2, s6;
	s5 =	sadd.s32 s4, s5;
	s4 =	simm.s32 $0x2  }
0x8: {  	[tilespmem:s3], [sflag:$0x2] =	stream.linear.gather [hbm4b:s5+s3], $0x200, $0x38;
	[tilespmem:$0x10200] =	vst v63  }
0x9: {  	s11 =	sshrl.u32 s10, $0x1;
	_ =	swait.ge [sflag:s4], $0x200  }
0xa: {  	s6 =	simm.s32 $0x200;
	s10 =	ssub.s32 s10, s11;
	[sflag:s4] =	ssyncset.done $0x0  }
0xb: {  	s7 =	simm.s32 $0x1;
	s31 =	smax.u32 s10, $0x1;
	[sflag:s4] =	ssyncadd.s32 $0xFFFFFE00  }
0xc: {  	[tilespmem:s6], [sflag:$0x1] =	stream.indirect.gather [hbm4b:s1+s6], $0x80, s3, s6, $0xb8;
	[tilespmem:$0x10200] =	vst v63  }
0xd: {  	p0 =	sne.s32 s31, $0x1;
	_ =	swait.ge [sflag:s7], $0x10000  }
.Ltmp0:
0xe: {  	s9 =	sshll.u32 s9, $0x4;
	[sflag:s7] =	ssyncset.done $0x0;
	(pc) =	sbr.rel @!p0 .LBB2_2-.Ltmp0, $4  }
0xf: {  	s8 =	sadd.s32 s8, s9;
	[sflag:s7] =	ssyncadd.s32 $0xFFFF0000  }
0x10: {  	[hbm4b:s8+s3] =	stream.linear.scatter [tilespmem:s6], [sflag:$0x2], $0x10000, $0x38;
	[tilespmem:$0x10200] =	vst v63  }
0x11: {  	_ =	swait.ge [sflag:s4], $0x10000  }
0x12: {  	s9 =	sadd.s32 $0xFFFFFFFF, s31;
	[sflag:s4] =	ssyncset.done $0x0  }
.LBB2_1:
0x13: {  	p0 =	sne.s32 s9, $0x1;
	s9 =	sadd.s32 $0xFFFFFFFF, s9;
	[sflag:s4] =	ssyncadd.s32 $0xFFFF0000  }
0x14: {  	[tilespmem:s3], [sflag:$0x2] =	stream.linear.gather [hbm4b:s5+s3], $0x200, $0x38;
	[tilespmem:$0x10200] =	vst v63  }
0x15: {  	_ =	swait.ge [sflag:s4], $0x200  }
0x16: {  	[sflag:s4] =	ssyncset.done $0x0  }
0x17: {  	[sflag:s4] =	ssyncadd.s32 $0xFFFFFE00  }
0x18: {  	[tilespmem:s6], [sflag:$0x1] =	stream.indirect.gather [hbm4b:s1+s6], $0x80, s3, s6, $0xb8;
	[tilespmem:$0x10200] =	vst v63  }
0x19: {  	_ =	swait.ge [sflag:s7], $0x10000  }
.Ltmp1:
0x1a: {  	[sflag:s7] =	ssyncset.done $0x0;
	(pc) =	sbr.rel @p0 .LBB2_1-.Ltmp1, $4  }
0x1b: {  	[sflag:s7] =	ssyncadd.s32 $0xFFFF0000  }
0x1c: {  	[hbm4b:s8+s3] =	stream.linear.scatter [tilespmem:s6], [sflag:$0x2], $0x10000, $0x38;
	[tilespmem:$0x10200] =	vst v63  }
0x1d: {  	_ =	swait.ge [sflag:s4], $0x10000  }
0x1e: {  	[sflag:s4] =	ssyncset.done $0x0  }
.LBB2_2:
0x1f: {  	[sflag:s4] =	ssyncadd.s32 $0xFFFF0000  }
0x20: {  	_ =	sfence.sel $0x180000  }
0x21: {  	[bflag:$0x0] =	sbarrier.arrive $0xFFFF  }
0x22: {  	p0 =	sne.s32 s0, $0x0;
	_ =	strace $0x90000047  }
0x23: {  	s0 =	sadd.s32 @!p0 $0x100000, s2;
	[bflag:$0x2] =	sbarrier.arrive $0xFFFF  }
0x24: {  	[sflag:s0] =	ssyncadd.tile.s32 @!p0 $0x1;
	_ =	shalt  }
.Lfunc_end2:
_tile_overlayer_lowered:
.L_overlay_start_2:
0x25: {  	(tag) =	ssettag $0x2  }
0x26: {  	s0 =	rddreg [dreg:$0x0];
	s2 =	stileid.u32  }
0x27: {  	s1 =	rddreg [dreg:$0x1];
	p0 =	sne.s32 s2, $0x0  }
0x28: {  	s3 =	rddreg [dreg:$0x2];
	[bflag:$0x3] =	sbarrier.arrive $0xFFFF;
	s2 =	simm.s32 @!p0 $0x1C02  }
0x29: {  	[timem:s3], [sflag:s2] =	dma.local @!p0 [hbm:s0], s1  }
0x2a: {  	s0 =	simm.s32 @!p0 $0x2  }
0x2b: {  	_ =	swait.ge @!p0 [sflag:s0], s1  }
0x2c: {  	s1 =	ssub.s32 @!p0 $0x0, s1;
	[sflag:s0] =	ssyncset.done @!p0 $0x0  }
0x2d: {  	[sflag:s0] =	ssyncadd.s32 @!p0 s1  }
0x2e: {  	[bflag:$0x3] =	sbarrier.arrive $0xFFFF  }
0x2f: {  	_ =	shalt  }

</sc_bundles>
